<compile_context>
chip_gen: v7x
topology: tpu7x:2x2x1
jax: 0.10.2.dev20260603
libtpu: 0.0.44.dev20260713+nightly
codegen_flags: <defaults>
</compile_context>

<pallas_src>
import functools

import jax
import jax.numpy as jnp
from jax import lax
from jax.experimental import pallas as pl
from jax.experimental.pallas import tpu as pltpu
from jax.experimental.pallas import tpu_sc as plsc

_N_VOX = 10000
_N_PTS = 320000
_D = 128
_B = 16
_SCALE = 14.285714285714286

_NC = 2
_NS = 16
_L = 16
_NW = _NC * _NS
_P = _N_PTS // _NW
_NV = _P // _L
_CW = 128
_VR = 80
_NVP = _VR * _CW
_U = 2
_LR = _U * _VR
_HR = _B * _VR


def _sc_hist_body(v2p_hbm, bidx_hbm, out_hbm, v2p_v, b_v, hist_v, idx_v,
                  hist_sh):
    cid = lax.axis_index("c")
    sid = lax.axis_index("s")
    wid = sid * _NC + cid
    base = wid * _P

    pltpu.sync_copy(v2p_hbm.at[pl.ds(base, _P)], v2p_v)
    pltpu.sync_copy(bidx_hbm.at[pl.ds(base, _P)], b_v)

    zeros = jnp.zeros((_L,), jnp.float32)

    def zero_hist():
        @plsc.parallel_loop(0, _LR, unroll=4)
        def _(r):
            for c in range(_CW // _L):
                hist_v[r, pl.ds(c * _L, _L)] = zeros

    zero_hist()
    pltpu.sync_copy(hist_v.at[pl.ds(0, _VR)],
                    hist_sh.at[pl.ds(sid * _VR, _VR)])
    plsc.subcore_barrier()

    b_lo = b_v[pl.ds(0, _L)][0]
    b_hi = b_v[pl.ds(_P - _L, _L)][_L - 1]
    lanes = lax.iota(jnp.int32, _L)

    def batch_pass(bb, carry):
        @plsc.parallel_loop(0, _NV, unroll=4)
        def _(g):
            sl = pl.ds(g * _L, _L)
            v = v2p_v[sl]
            m = b_v[sl] == bb
            cnt, last = plsc.scan_count(v, mask=m)
            sub = (g & (_U - 1)) * _VR
            plsc.addupdate_scatter(
                hist_v, [sub + (v >> 7), v & 127], cnt.astype(jnp.float32),
                mask=last)

        row0 = bb * _VR
        for c in range(_LR // _L):
            idx_v[pl.ds(c * _L, _L)] = row0 + (c % (_VR // _L)) * _L + lanes
        pltpu.sync_copy(hist_v, hist_sh.at[idx_v], add=True)
        zero_hist()
        return carry

    lax.fori_loop(b_lo, b_hi + 1, batch_pass, 0)
    plsc.subcore_barrier()

    pltpu.sync_copy(hist_sh.at[pl.ds(sid * _VR, _VR)],
                    out_hbm.at[cid, pl.ds(sid * _VR, _VR)])


@functools.cache
def _sc_hist_kernel():
    mesh = plsc.VectorSubcoreMesh(
        core_axis_name="c", subcore_axis_name="s", num_cores=_NC,
        num_subcores=_NS)
    return pl.kernel(
        _sc_hist_body,
        out_type=jax.ShapeDtypeStruct((_NC, _HR, _CW), jnp.float32),
        mesh=mesh,
        compiler_params=pltpu.CompilerParams(needs_layout_passes=False,
                                             skip_device_barrier=True),
        scratch_types=[
            pltpu.VMEM((_P,), jnp.int32),
            pltpu.VMEM((_P,), jnp.int32),
            pltpu.VMEM((_LR, _CW), jnp.float32),
            pltpu.VMEM((_LR,), jnp.int32),
            pltpu.VMEM_SHARED((_HR, _CW), jnp.float32),
        ],
    )


def _tc_finish_body(hist_ref, feats_ref, cap_ref, out_ref, lab_ref):
    h = (hist_ref[0] + hist_ref[1])[:, :_N_VOX]
    counts = jnp.sum(h, axis=1, keepdims=True)
    sums = jnp.dot(h, feats_ref[...], preferred_element_type=jnp.float32)
    pooled = sums / jnp.maximum(counts, 1.0)
    sq = jnp.sum(pooled * pooled, axis=1, keepdims=True)
    pooled_n = pooled / jnp.maximum(jnp.sqrt(sq), 1e-12)
    logits = jnp.dot(pooled_n, cap_ref[...].T,
                     preferred_element_type=jnp.float32)
    out_ref[...] = logits * _SCALE
    lab_ref[...] = lax.broadcasted_iota(jnp.int32, (_B,), 0)


@functools.cache
def _tc_finish_kernel():
    return pl.pallas_call(
        _tc_finish_body,
        out_shape=(jax.ShapeDtypeStruct((_B, _B), jnp.float32),
                   jax.ShapeDtypeStruct((_B,), jnp.int32)),
        compiler_params=pltpu.CompilerParams(skip_device_barrier=True),
    )


def kernel(adapter_feats, caption_embed, v2p_map, batch_idx):
    v2p = v2p_map.astype(jnp.int32)
    bid = batch_idx.astype(jnp.int32)
    hist = _sc_hist_kernel()(v2p, bid)
    hist = hist.reshape(_NC, _B, _NVP)
    caption_logit, caption_labels = _tc_finish_kernel()(
        hist, adapter_feats, caption_embed)
    caption_labels = caption_labels.astype(jnp.int64)
    return caption_logit, caption_labels

# --- scband reference (transcript-rebuilt; emitter-appended) ---
"""Pipeline reference for scband-caption-head-25761213841796 (READ-ONLY COPY).

The authoritative reference and input builder live on the scoring server;
editing this copy changes nothing except your own understanding.
"""

import jax, jax.numpy as jnp
import numpy as np

N_VOX = 10000
N_PTS = 320000
D = 128
B = 16
LOGIT_SCALE = 14.285714285714286  # 1 / 0.07, non-learnable per model_cfg


def setup_inputs(seed: int = 0) -> dict:
    key = jax.random.key(seed)
    k1, k2, k3, k4 = jax.random.split(key, 4)
    adapter_feats = jax.random.normal(k1, (N_VOX, D), dtype=jnp.float32)
    caption_embed = jax.random.normal(k2, (B, D), dtype=jnp.float32)
    # caption embeds arrive pre-normalized ('normed_caption_embed' in the torch code)
    caption_embed = caption_embed / jnp.linalg.norm(caption_embed, axis=-1, keepdims=True)
    v2p_map = jax.random.randint(k3, (N_PTS,), 0, N_VOX, dtype=jnp.int64)
    batch_idx = jnp.sort(jax.random.randint(k4, (N_PTS,), 0, B, dtype=jnp.int64))
    return {
        "adapter_feats": adapter_feats,
        "caption_embed": caption_embed,
        "v2p_map": v2p_map,
        "batch_idx": batch_idx,
    }


def reference(adapter_feats, caption_embed, v2p_map, batch_idx):
    # CaptionHead.forward, scene-caption branch, pooling_obj='feat':
    # 1) gather point features via v2p_map
    feats = jnp.take(adapter_feats, v2p_map, axis=0)  # [N_PTS, D]
    # 2) scatter_mean over batch index (segment mean)
    sums = jax.ops.segment_sum(feats, batch_idx, num_segments=B)  # [B, D]
    counts = jax.ops.segment_sum(jnp.ones((feats.shape[0],), dtype=feats.dtype), batch_idx, num_segments=B)
    pooled = sums / jnp.clip(counts, 1.0, None)[:, None]  # [B, D]
    # 3) prepare_caption_loss_logit_and_labels: normalize pooled feats,
    #    contrastive logits against normed caption embeds scaled by logit_scale
    pooled_n = pooled / jnp.clip(jnp.linalg.norm(pooled, axis=-1, keepdims=True), 1e-12, None)
    caption_logit = (pooled_n @ caption_embed.T.astype(jnp.float32)) * LOGIT_SCALE  # [B, B]
    caption_labels = jnp.arange(B, dtype=jnp.int64)  # caption_idx: one caption per scene
    return caption_logit, caption_labels

if __name__ == "__main__":
    import jax
    _d = setup_inputs()
    print(jax.jit(kernel)(*tuple(_d.values())))

</pallas_src>

<mosaic_0001>
#map = affine_map<(d0, d1) -> (0)>
#map1 = affine_map<(d0, d1) -> (0, 0, 0)>
module attributes {stable_mosaic.version = 14 : i64} {
  func.func @_sc_hist_body(%arg0: i32, %arg1: i32, %arg2: memref<320000xi32, #tpu.memory_space<hbm>>, %arg3: memref<320000xi32, #tpu.memory_space<hbm>>, %arg4: memref<2x1280x128xf32, #tpu.memory_space<hbm>>, %arg5: memref<10000xi32, #tpu.memory_space<vmem>>, %arg6: memref<10000xi32, #tpu.memory_space<vmem>>, %arg7: memref<160x128xf32, #tpu.memory_space<vmem>>, %arg8: memref<160xi32, #tpu.memory_space<vmem>>, %arg9: memref<1280x128xf32, #tpu.memory_space<vmem_shared>>) attributes {dimension_semantics = [#tpu.dimension_semantics<core_parallel>, #tpu.dimension_semantics<subcore_parallel>], iteration_bounds = array<i64: 2, 16>, scalar_prefetch = 0 : i64, scratch_operands = 5 : i64, tpu.core_type = #tpu.core_type<sc_vector_subcore>, window_params = [{transform_indices = #map}, {transform_indices = #map}, {transform_indices = #map1}]} {
    %mul3A = arith.constant 2 : i32
    %mul3A_0 = arith.muli %arg1, %mul3A : i32
    %add3A = arith.addi %mul3A_0, %arg0 : i32
    %mul3A_1 = arith.constant 10000 : i32
    %mul3A_2 = arith.muli %add3A, %mul3A_1 : i32
    "tpu.region"() ({
      %run_scoped3A = tpu.sem_alloc : memref<!tpu.dma_semaphore, #tpu.memory_space<semaphore_mem>>
      %dma_start3A = tpu.memref_slice %arg2[%mul3A_2] : memref<320000xi32, #tpu.memory_space<hbm>> -> memref<10000xi32, #tpu.memory_space<hbm>>
      %dma_start3A_28 = tpu.memref_slice %arg2[%mul3A_2] : memref<320000xi32, #tpu.memory_space<hbm>> -> memref<10000xi32, #tpu.memory_space<hbm>>
      tpu.enqueue_dma source(%dma_start3A_28 : memref<10000xi32, #tpu.memory_space<hbm>>) target(%arg5 : memref<10000xi32, #tpu.memory_space<vmem>>) target_semaphore(%run_scoped3A : memref<!tpu.dma_semaphore, #tpu.memory_space<semaphore_mem>>)
      %dma_wait3A = tpu.memref_slice %arg2[%mul3A_2] : memref<320000xi32, #tpu.memory_space<hbm>> -> memref<10000xi32, #tpu.memory_space<hbm>>
      %dma_wait3A_29 = tpu.memref_slice %arg2[%mul3A_2] : memref<320000xi32, #tpu.memory_space<hbm>> -> memref<10000xi32, #tpu.memory_space<hbm>>
      tpu.wait_dma2 semaphore(%run_scoped3A : memref<!tpu.dma_semaphore, #tpu.memory_space<semaphore_mem>>) src(%dma_wait3A_29 : memref<10000xi32, #tpu.memory_space<hbm>>) dst(%arg5 : memref<10000xi32, #tpu.memory_space<vmem>>)
      tpu.yield
    }) : () -> ()
    "tpu.region"() ({
      %run_scoped3A = tpu.sem_alloc : memref<!tpu.dma_semaphore, #tpu.memory_space<semaphore_mem>>
      %dma_start3A = tpu.memref_slice %arg3[%mul3A_2] : memref<320000xi32, #tpu.memory_space<hbm>> -> memref<10000xi32, #tpu.memory_space<hbm>>
      %dma_start3A_28 = tpu.memref_slice %arg3[%mul3A_2] : memref<320000xi32, #tpu.memory_space<hbm>> -> memref<10000xi32, #tpu.memory_space<hbm>>
      tpu.enqueue_dma source(%dma_start3A_28 : memref<10000xi32, #tpu.memory_space<hbm>>) target(%arg6 : memref<10000xi32, #tpu.memory_space<vmem>>) target_semaphore(%run_scoped3A : memref<!tpu.dma_semaphore, #tpu.memory_space<semaphore_mem>>)
      %dma_wait3A = tpu.memref_slice %arg3[%mul3A_2] : memref<320000xi32, #tpu.memory_space<hbm>> -> memref<10000xi32, #tpu.memory_space<hbm>>
      %dma_wait3A_29 = tpu.memref_slice %arg3[%mul3A_2] : memref<320000xi32, #tpu.memory_space<hbm>> -> memref<10000xi32, #tpu.memory_space<hbm>>
      tpu.wait_dma2 semaphore(%run_scoped3A : memref<!tpu.dma_semaphore, #tpu.memory_space<semaphore_mem>>) src(%dma_wait3A_29 : memref<10000xi32, #tpu.memory_space<hbm>>) dst(%arg6 : memref<10000xi32, #tpu.memory_space<vmem>>)
      tpu.yield
    }) : () -> ()
    %broadcast_in_dim3A = arith.constant 0.000000e+00 : f32
    %broadcast_in_dim3A_3 = vector.broadcast %broadcast_in_dim3A : f32 to vector<16xf32>
    %parallel_loop3A = arith.constant 0 : i32
    %parallel_loop3A_4 = arith.constant 160 : i32
    %parallel_loop3A_5 = arith.constant 1 : i32
    scf.for %parallel_loop3A_28 = %parallel_loop3A to %parallel_loop3A_4 step %parallel_loop3A_5  : i32 {
      %parallel_loop3A_29 = arith.index_cast %parallel_loop3A_28 : i32 to index
      %parallel_loop3A_30 = arith.constant 0 : index
      %parallel_loop3A_31 = tpu.vector_load %arg7[%parallel_loop3A_29, %parallel_loop3A_30] {strides = array<i32>} : memref<160x128xf32, #tpu.memory_space<vmem>>, vector<16xf32>,
      tpu.vector_store %arg7[%parallel_loop3A_29, %parallel_loop3A_30], %broadcast_in_dim3A_3 {strides = array<i32>} : memref<160x128xf32, #tpu.memory_space<vmem>>, vector<16xf32>,
      %parallel_loop3A_32 = arith.index_cast %parallel_loop3A_28 : i32 to index
      %parallel_loop3A_33 = arith.constant 16 : index
      %parallel_loop3A_34 = tpu.vector_load %arg7[%parallel_loop3A_32, %parallel_loop3A_33] {strides = array<i32>} : memref<160x128xf32, #tpu.memory_space<vmem>>, vector<16xf32>,
      tpu.vector_store %arg7[%parallel_loop3A_32, %parallel_loop3A_33], %broadcast_in_dim3A_3 {strides = array<i32>} : memref<160x128xf32, #tpu.memory_space<vmem>>, vector<16xf32>,
      %parallel_loop3A_35 = arith.index_cast %parallel_loop3A_28 : i32 to index
      %parallel_loop3A_36 = arith.constant 32 : index
      %parallel_loop3A_37 = tpu.vector_load %arg7[%parallel_loop3A_35, %parallel_loop3A_36] {strides = array<i32>} : memref<160x128xf32, #tpu.memory_space<vmem>>, vector<16xf32>,
      tpu.vector_store %arg7[%parallel_loop3A_35, %parallel_loop3A_36], %broadcast_in_dim3A_3 {strides = array<i32>} : memref<160x128xf32, #tpu.memory_space<vmem>>, vector<16xf32>,
      %parallel_loop3A_38 = arith.index_cast %parallel_loop3A_28 : i32 to index
      %parallel_loop3A_39 = arith.constant 48 : index
      %parallel_loop3A_40 = tpu.vector_load %arg7[%parallel_loop3A_38, %parallel_loop3A_39] {strides = array<i32>} : memref<160x128xf32, #tpu.memory_space<vmem>>, vector<16xf32>,
      tpu.vector_store %arg7[%parallel_loop3A_38, %parallel_loop3A_39], %broadcast_in_dim3A_3 {strides = array<i32>} : memref<160x128xf32, #tpu.memory_space<vmem>>, vector<16xf32>,
      %parallel_loop3A_41 = arith.index_cast %parallel_loop3A_28 : i32 to index
      %parallel_loop3A_42 = arith.constant 64 : index
      %parallel_loop3A_43 = tpu.vector_load %arg7[%parallel_loop3A_41, %parallel_loop3A_42] {strides = array<i32>} : memref<160x128xf32, #tpu.memory_space<vmem>>, vector<16xf32>,
      tpu.vector_store %arg7[%parallel_loop3A_41, %parallel_loop3A_42], %broadcast_in_dim3A_3 {strides = array<i32>} : memref<160x128xf32, #tpu.memory_space<vmem>>, vector<16xf32>,
      %parallel_loop3A_44 = arith.index_cast %parallel_loop3A_28 : i32 to index
      %parallel_loop3A_45 = arith.constant 80 : index
      %parallel_loop3A_46 = tpu.vector_load %arg7[%parallel_loop3A_44, %parallel_loop3A_45] {strides = array<i32>} : memref<160x128xf32, #tpu.memory_space<vmem>>, vector<16xf32>,
      tpu.vector_store %arg7[%parallel_loop3A_44, %parallel_loop3A_45], %broadcast_in_dim3A_3 {strides = array<i32>} : memref<160x128xf32, #tpu.memory_space<vmem>>, vector<16xf32>,
      %parallel_loop3A_47 = arith.index_cast %parallel_loop3A_28 : i32 to index
      %parallel_loop3A_48 = arith.constant 96 : index
      %parallel_loop3A_49 = tpu.vector_load %arg7[%parallel_loop3A_47, %parallel_loop3A_48] {strides = array<i32>} : memref<160x128xf32, #tpu.memory_space<vmem>>, vector<16xf32>,
      tpu.vector_store %arg7[%parallel_loop3A_47, %parallel_loop3A_48], %broadcast_in_dim3A_3 {strides = array<i32>} : memref<160x128xf32, #tpu.memory_space<vmem>>, vector<16xf32>,
      %parallel_loop3A_50 = arith.index_cast %parallel_loop3A_28 : i32 to index
      %parallel_loop3A_51 = arith.constant 112 : index
      %parallel_loop3A_52 = tpu.vector_load %arg7[%parallel_loop3A_50, %parallel_loop3A_51] {strides = array<i32>} : memref<160x128xf32, #tpu.memory_space<vmem>>, vector<16xf32>,
      tpu.vector_store %arg7[%parallel_loop3A_50, %parallel_loop3A_51], %broadcast_in_dim3A_3 {strides = array<i32>} : memref<160x128xf32, #tpu.memory_space<vmem>>, vector<16xf32>,
    } {sc.loop_unroll_factor = 4 : i64, sc.parallel_access}
    %mul3A_6 = arith.constant 80 : i32
    %mul3A_7 = arith.muli %arg1, %mul3A_6 : i32
    "tpu.region"() ({
      %run_scoped3A = tpu.sem_alloc : memref<!tpu.dma_semaphore, #tpu.memory_space<semaphore_mem>>
      %dma_start3A = arith.constant 0 : i32
      %dma_start3A_28 = arith.constant 0 : i32
      %dma_start3A_29 = tpu.memref_slice %arg7[%dma_start3A, %dma_start3A_28] : memref<160x128xf32, #tpu.memory_space<vmem>> -> memref<80x128xf32, #tpu.memory_space<vmem>>
      %dma_start3A_30 = arith.constant 0 : i32
      %dma_start3A_31 = tpu.memref_slice %arg9[%mul3A_7, %dma_start3A_30] : memref<1280x128xf32, #tpu.memory_space<vmem_shared>> -> memref<80x128xf32, #tpu.memory_space<vmem_shared>>
      %dma_start3A_32 = arith.constant 0 : i32
      %dma_start3A_33 = tpu.memref_slice %arg9[%mul3A_7, %dma_start3A_32] : memref<1280x128xf32, #tpu.memory_space<vmem_shared>> -> memref<80x128xf32, #tpu.memory_space<vmem_shared>>
      %dma_start3A_34 = arith.constant 0 : i32
      %dma_start3A_35 = arith.constant 0 : i32
      %dma_start3A_36 = tpu.memref_slice %arg7[%dma_start3A_34, %dma_start3A_35] : memref<160x128xf32, #tpu.memory_space<vmem>> -> memref<80x128xf32, #tpu.memory_space<vmem>>
      tpu.enqueue_dma source(%dma_start3A_36 : memref<80x128xf32, #tpu.memory_space<vmem>>) target(%dma_start3A_33 : memref<80x128xf32, #tpu.memory_space<vmem_shared>>) target_semaphore(%run_scoped3A : memref<!tpu.dma_semaphore, #tpu.memory_space<semaphore_mem>>)
      %dma_wait3A = arith.constant 0 : i32
      %dma_wait3A_37 = arith.constant 0 : i32
      %dma_wait3A_38 = tpu.memref_slice %arg7[%dma_wait3A, %dma_wait3A_37] : memref<160x128xf32, #tpu.memory_space<vmem>> -> memref<80x128xf32, #tpu.memory_space<vmem>>
      %dma_wait3A_39 = arith.constant 0 : i32
      %dma_wait3A_40 = tpu.memref_slice %arg9[%mul3A_7, %dma_wait3A_39] : memref<1280x128xf32, #tpu.memory_space<vmem_shared>> -> memref<80x128xf32, #tpu.memory_space<vmem_shared>>
      %dma_wait3A_41 = arith.constant 0 : i32
      %dma_wait3A_42 = tpu.memref_slice %arg9[%mul3A_7, %dma_wait3A_41] : memref<1280x128xf32, #tpu.memory_space<vmem_shared>> -> memref<80x128xf32, #tpu.memory_space<vmem_shared>>
      %dma_wait3A_43 = arith.constant 0 : i32
      %dma_wait3A_44 = arith.constant 0 : i32
      %dma_wait3A_45 = tpu.memref_slice %arg7[%dma_wait3A_43, %dma_wait3A_44] : memref<160x128xf32, #tpu.memory_space<vmem>> -> memref<80x128xf32, #tpu.memory_space<vmem>>
      tpu.wait_dma2 semaphore(%run_scoped3A : memref<!tpu.dma_semaphore, #tpu.memory_space<semaphore_mem>>) src(%dma_wait3A_45 : memref<80x128xf32, #tpu.memory_space<vmem>>) dst(%dma_wait3A_42 : memref<80x128xf32, #tpu.memory_space<vmem_shared>>)
      tpu.yield
    }) : () -> ()
    %barrier3A = arith.constant 0 : index
    tpu.barrier barrier_id(%barrier3A)
    %get3A = arith.constant 0 : index
    %get3A_8 = tpu.vector_load %arg6[%get3A] {strides = array<i32>} : memref<10000xi32, #tpu.memory_space<vmem>>, vector<16xi32>,
    %slice3A = vector.extract_strided_slice %get3A_8 {offsets = [0], sizes = [1], strides = [1]} : vector<16xi32> to vector<1xi32>
    %squeeze3A = vector.extract %slice3A[0] : i32 from vector<1xi32>
    %get3A_9 = arith.constant 9984 : index
    %get3A_10 = tpu.vector_load %arg6[%get3A_9] {strides = array<i32>} : memref<10000xi32, #tpu.memory_space<vmem>>, vector<16xi32>,
    %slice3A_11 = vector.extract_strided_slice %get3A_10 {offsets = [15], sizes = [1], strides = [1]} : vector<16xi32> to vector<1xi32>
    %squeeze3A_12 = vector.extract %slice3A_11[0] : i32 from vector<1xi32>
    %iota3A = tpu.iota {dimensions = array<i32: 0>} : vector<16xi32>
    %add3A_13 = arith.constant 1 : i32
    %add3A_14 = arith.addi %squeeze3A_12, %add3A_13 : i32
    %while3A = arith.constant 0 : i32
    %while3A_15 = arith.subi %add3A_14, %squeeze3A : i32
    %while3A_16 = arith.addi %squeeze3A, %while3A_15 : i32
    %while3A_17 = arith.constant 1 : i32
    %while3A_18 = arith.divsi %while3A_15, %while3A_17 : i32
    %while3A_19 = arith.muli %while3A_18, %while3A_17 : i32
    %while3A_20 = arith.addi %squeeze3A, %while3A_19 : i32
    %while3A_21 = arith.constant 1 : i32
    scf.for %while3A_28 = %squeeze3A to %while3A_20 step %while3A_21  : i32 {
      %parallel_loop3A_29 = arith.constant 0 : i32
      %parallel_loop3A_30 = arith.constant 625 : i32
      %parallel_loop3A_31 = arith.constant 1 : i32
      scf.for %parallel_loop3A_96 = %parallel_loop3A_29 to %parallel_loop3A_30 step %parallel_loop3A_31  : i32 {
        %parallel_loop3A_97 = arith.constant 16 : i32
        %parallel_loop3A_98 = arith.muli %parallel_loop3A_96, %parallel_loop3A_97 : i32
        %parallel_loop3A_99 = arith.index_cast %parallel_loop3A_98 : i32 to index
        %parallel_loop3A_100 = tpu.vector_load %arg5[%parallel_loop3A_99] {strides = array<i32>} : memref<10000xi32, #tpu.memory_space<vmem>>, vector<16xi32>,
        %parallel_loop3A_101 = arith.index_cast %parallel_loop3A_98 : i32 to index
        %parallel_loop3A_102 = tpu.vector_load %arg6[%parallel_loop3A_101] {strides = array<i32>} : memref<10000xi32, #tpu.memory_space<vmem>>, vector<16xi32>,
        %parallel_loop3A_103 = vector.broadcast %while3A_28 : i32 to vector<16xi32>
        %parallel_loop3A_104 = arith.cmpi eq, %parallel_loop3A_102, %parallel_loop3A_103 : vector<16xi32>
        %parallel_loop3A_105, %parallel_loop3A_106 = tpu.scan_count mask(%parallel_loop3A_104 : vector<16xi1>) value(%parallel_loop3A_100 : vector<16xi32>) : vector<16xi1>, vector<16xi32>
        %parallel_loop3A_107 = arith.constant 1 : i32
        %parallel_loop3A_108 = arith.andi %parallel_loop3A_96, %parallel_loop3A_107 : i32
        %parallel_loop3A_109 = arith.constant 80 : i32
        %parallel_loop3A_110 = arith.muli %parallel_loop3A_108, %parallel_loop3A_109 : i32
        %parallel_loop3A_111 = arith.constant 7 : i32
        %parallel_loop3A_112 = vector.broadcast %parallel_loop3A_111 : i32 to vector<16xi32>
        %parallel_loop3A_113 = arith.shrsi %parallel_loop3A_100, %parallel_loop3A_112 : vector<16xi32>
        %parallel_loop3A_114 = vector.broadcast %parallel_loop3A_110 : i32 to vector<16xi32>
        %parallel_loop3A_115 = arith.addi %parallel_loop3A_114, %parallel_loop3A_113 : vector<16xi32>
        %parallel_loop3A_116 = arith.constant 127 : i32
        %parallel_loop3A_117 = vector.broadcast %parallel_loop3A_116 : i32 to vector<16xi32>
        %parallel_loop3A_118 = arith.andi %parallel_loop3A_100, %parallel_loop3A_117 : vector<16xi32>
        %parallel_loop3A_119 = arith.sitofp %parallel_loop3A_106 : vector<16xi32> to vector<16xf32>
        tpu.vector_store_idx %arg7[%parallel_loop3A_115, %parallel_loop3A_118], %parallel_loop3A_119 masked %parallel_loop3A_105 {add = true} : memref<160x128xf32, #tpu.memory_space<vmem>>[vector<16xi32>, vector<16xi32>], vector<16xf32>, vector<16xi1>
      } {sc.loop_unroll_factor = 4 : i64, sc.parallel_access}
      %mul3A_32 = arith.constant 80 : i32
      %mul3A_33 = arith.muli %while3A_28, %mul3A_32 : i32
      %add3A_34 = arith.constant 0 : i32
      %add3A_35 = arith.addi %mul3A_33, %add3A_34 : i32
      %add3A_36 = vector.broadcast %add3A_35 : i32 to vector<16xi32>
      %add3A_37 = arith.addi %add3A_36, %iota3A : vector<16xi32>
      %swap3A = arith.constant 0 : index
      %swap3A_38 = tpu.vector_load %arg8[%swap3A] {strides = array<i32>} : memref<160xi32, #tpu.memory_space<vmem>>, vector<16xi32>,
      tpu.vector_store %arg8[%swap3A], %add3A_37 {strides = array<i32>} : memref<160xi32, #tpu.memory_space<vmem>>, vector<16xi32>,
      %add3A_39 = arith.constant 16 : i32
      %add3A_40 = arith.addi %mul3A_33, %add3A_39 : i32
      %add3A_41 = vector.broadcast %add3A_40 : i32 to vector<16xi32>
      %add3A_42 = arith.addi %add3A_41, %iota3A : vector<16xi32>
      %swap3A_43 = arith.constant 16 : index
      %swap3A_44 = tpu.vector_load %arg8[%swap3A_43] {strides = array<i32>} : memref<160xi32, #tpu.memory_space<vmem>>, vector<16xi32>,
      tpu.vector_store %arg8[%swap3A_43], %add3A_42 {strides = array<i32>} : memref<160xi32, #tpu.memory_space<vmem>>, vector<16xi32>,
      %add3A_45 = arith.constant 32 : i32
      %add3A_46 = arith.addi %mul3A_33, %add3A_45 : i32
      %add3A_47 = vector.broadcast %add3A_46 : i32 to vector<16xi32>
      %add3A_48 = arith.addi %add3A_47, %iota3A : vector<16xi32>
      %swap3A_49 = arith.constant 32 : index
      %swap3A_50 = tpu.vector_load %arg8[%swap3A_49] {strides = array<i32>} : memref<160xi32, #tpu.memory_space<vmem>>, vector<16xi32>,
      tpu.vector_store %arg8[%swap3A_49], %add3A_48 {strides = array<i32>} : memref<160xi32, #tpu.memory_space<vmem>>, vector<16xi32>,
      %add3A_51 = arith.constant 48 : i32
      %add3A_52 = arith.addi %mul3A_33, %add3A_51 : i32
      %add3A_53 = vector.broadcast %add3A_52 : i32 to vector<16xi32>
      %add3A_54 = arith.addi %add3A_53, %iota3A : vector<16xi32>
      %swap3A_55 = arith.constant 48 : index
      %swap3A_56 = tpu.vector_load %arg8[%swap3A_55] {strides = array<i32>} : memref<160xi32, #tpu.memory_space<vmem>>, vector<16xi32>,
      tpu.vector_store %arg8[%swap3A_55], %add3A_54 {strides = array<i32>} : memref<160xi32, #tpu.memory_space<vmem>>, vector<16xi32>,
      %add3A_57 = arith.constant 64 : i32
      %add3A_58 = arith.addi %mul3A_33, %add3A_57 : i32
      %add3A_59 = vector.broadcast %add3A_58 : i32 to vector<16xi32>
      %add3A_60 = arith.addi %add3A_59, %iota3A : vector<16xi32>
      %swap3A_61 = arith.constant 64 : index
      %swap3A_62 = tpu.vector_load %arg8[%swap3A_61] {strides = array<i32>} : memref<160xi32, #tpu.memory_space<vmem>>, vector<16xi32>,
      tpu.vector_store %arg8[%swap3A_61], %add3A_60 {strides = array<i32>} : memref<160xi32, #tpu.memory_space<vmem>>, vector<16xi32>,
      %add3A_63 = arith.constant 0 : i32
      %add3A_64 = arith.addi %mul3A_33, %add3A_63 : i32
      %add3A_65 = vector.broadcast %add3A_64 : i32 to vector<16xi32>
      %add3A_66 = arith.addi %add3A_65, %iota3A : vector<16xi32>
      %swap3A_67 = arith.constant 80 : index
      %swap3A_68 = tpu.vector_load %arg8[%swap3A_67] {strides = array<i32>} : memref<160xi32, #tpu.memory_space<vmem>>, vector<16xi32>,
      tpu.vector_store %arg8[%swap3A_67], %add3A_66 {strides = array<i32>} : memref<160xi32, #tpu.memory_space<vmem>>, vector<16xi32>,
      %add3A_69 = arith.constant 16 : i32
      %add3A_70 = arith.addi %mul3A_33, %add3A_69 : i32
      %add3A_71 = vector.broadcast %add3A_70 : i32 to vector<16xi32>
      %add3A_72 = arith.addi %add3A_71, %iota3A : vector<16xi32>
      %swap3A_73 = arith.constant 96 : index
      %swap3A_74 = tpu.vector_load %arg8[%swap3A_73] {strides = array<i32>} : memref<160xi32, #tpu.memory_space<vmem>>, vector<16xi32>,
      tpu.vector_store %arg8[%swap3A_73], %add3A_72 {strides = array<i32>} : memref<160xi32, #tpu.memory_space<vmem>>, vector<16xi32>,
      %add3A_75 = arith.constant 32 : i32
      %add3A_76 = arith.addi %mul3A_33, %add3A_75 : i32
      %add3A_77 = vector.broadcast %add3A_76 : i32 to vector<16xi32>
      %add3A_78 = arith.addi %add3A_77, %iota3A : vector<16xi32>
      %swap3A_79 = arith.constant 112 : index
      %swap3A_80 = tpu.vector_load %arg8[%swap3A_79] {strides = array<i32>} : memref<160xi32, #tpu.memory_space<vmem>>, vector<16xi32>,
      tpu.vector_store %arg8[%swap3A_79], %add3A_78 {strides = array<i32>} : memref<160xi32, #tpu.memory_space<vmem>>, vector<16xi32>,
      %add3A_81 = arith.constant 48 : i32
      %add3A_82 = arith.addi %mul3A_33, %add3A_81 : i32
      %add3A_83 = vector.broadcast %add3A_82 : i32 to vector<16xi32>
      %add3A_84 = arith.addi %add3A_83, %iota3A : vector<16xi32>
      %swap3A_85 = arith.constant 128 : index
      %swap3A_86 = tpu.vector_load %arg8[%swap3A_85] {strides = array<i32>} : memref<160xi32, #tpu.memory_space<vmem>>, vector<16xi32>,
      tpu.vector_store %arg8[%swap3A_85], %add3A_84 {strides = array<i32>} : memref<160xi32, #tpu.memory_space<vmem>>, vector<16xi32>,
      %add3A_87 = arith.constant 64 : i32
      %add3A_88 = arith.addi %mul3A_33, %add3A_87 : i32
      %add3A_89 = vector.broadcast %add3A_88 : i32 to vector<16xi32>
      %add3A_90 = arith.addi %add3A_89, %iota3A : vector<16xi32>
      %swap3A_91 = arith.constant 144 : index
      %swap3A_92 = tpu.vector_load %arg8[%swap3A_91] {strides = array<i32>} : memref<160xi32, #tpu.memory_space<vmem>>, vector<16xi32>,
      tpu.vector_store %arg8[%swap3A_91], %add3A_90 {strides = array<i32>} : memref<160xi32, #tpu.memory_space<vmem>>, vector<16xi32>,
      "tpu.region"() ({
        %run_scoped3A = tpu.sem_alloc : memref<!tpu.dma_semaphore, #tpu.memory_space<semaphore_mem>>
        %dma_start3A = arith.constant 0 : i32
        %dma_start3A_96 = arith.constant 0 : i32
        %dma_start3A_97 = tpu.memref_slice %arg9[%dma_start3A, %dma_start3A_96] : memref<1280x128xf32, #tpu.memory_space<vmem_shared>> -> memref<1280x128xf32, #tpu.memory_space<vmem_shared>>
        tpu.enqueue_indirect_dma source(%arg7 : memref<160x128xf32, #tpu.memory_space<vmem>>) target(%dma_start3A_97 : memref<1280x128xf32, #tpu.memory_space<vmem_shared>>) offsets(%arg8 : memref<160xi32, #tpu.memory_space<vmem>>) semaphore(%run_scoped3A : memref<!tpu.dma_semaphore, #tpu.memory_space<semaphore_mem>>) {add = true}
        %dma_wait3A = arith.constant 0 : i32
        %dma_wait3A_98 = arith.constant 0 : i32
        %dma_wait3A_99 = tpu.memref_slice %arg9[%dma_wait3A, %dma_wait3A_98] : memref<1280x128xf32, #tpu.memory_space<vmem_shared>> -> memref<1280x128xf32, #tpu.memory_space<vmem_shared>>
        tpu.wait_indirect_dma semaphore(%run_scoped3A : memref<!tpu.dma_semaphore, #tpu.memory_space<semaphore_mem>>) src(%arg7 : memref<160x128xf32, #tpu.memory_space<vmem>>) dst(%dma_wait3A_99 : memref<1280x128xf32, #tpu.memory_space<vmem_shared>>)
        tpu.yield
      }) : () -> ()
      %parallel_loop3A_93 = arith.constant 0 : i32
      %parallel_loop3A_94 = arith.constant 160 : i32
      %parallel_loop3A_95 = arith.constant 1 : i32
      scf.for %parallel_loop3A_96 = %parallel_loop3A_93 to %parallel_loop3A_94 step %parallel_loop3A_95  : i32 {
        %parallel_loop3A_97 = arith.index_cast %parallel_loop3A_96 : i32 to index
        %parallel_loop3A_98 = arith.constant 0 : index
        %parallel_loop3A_99 = tpu.vector_load %arg7[%parallel_loop3A_97, %parallel_loop3A_98] {strides = array<i32>} : memref<160x128xf32, #tpu.memory_space<vmem>>, vector<16xf32>,
        tpu.vector_store %arg7[%parallel_loop3A_97, %parallel_loop3A_98], %broadcast_in_dim3A_3 {strides = array<i32>} : memref<160x128xf32, #tpu.memory_space<vmem>>, vector<16xf32>,
        %parallel_loop3A_100 = arith.index_cast %parallel_loop3A_96 : i32 to index
        %parallel_loop3A_101 = arith.constant 16 : index
        %parallel_loop3A_102 = tpu.vector_load %arg7[%parallel_loop3A_100, %parallel_loop3A_101] {strides = array<i32>} : memref<160x128xf32, #tpu.memory_space<vmem>>, vector<16xf32>,
        tpu.vector_store %arg7[%parallel_loop3A_100, %parallel_loop3A_101], %broadcast_in_dim3A_3 {strides = array<i32>} : memref<160x128xf32, #tpu.memory_space<vmem>>, vector<16xf32>,
        %parallel_loop3A_103 = arith.index_cast %parallel_loop3A_96 : i32 to index
        %parallel_loop3A_104 = arith.constant 32 : index
        %parallel_loop3A_105 = tpu.vector_load %arg7[%parallel_loop3A_103, %parallel_loop3A_104] {strides = array<i32>} : memref<160x128xf32, #tpu.memory_space<vmem>>, vector<16xf32>,
        tpu.vector_store %arg7[%parallel_loop3A_103, %parallel_loop3A_104], %broadcast_in_dim3A_3 {strides = array<i32>} : memref<160x128xf32, #tpu.memory_space<vmem>>, vector<16xf32>,
        %parallel_loop3A_106 = arith.index_cast %parallel_loop3A_96 : i32 to index
        %parallel_loop3A_107 = arith.constant 48 : index
        %parallel_loop3A_108 = tpu.vector_load %arg7[%parallel_loop3A_106, %parallel_loop3A_107] {strides = array<i32>} : memref<160x128xf32, #tpu.memory_space<vmem>>, vector<16xf32>,
        tpu.vector_store %arg7[%parallel_loop3A_106, %parallel_loop3A_107], %broadcast_in_dim3A_3 {strides = array<i32>} : memref<160x128xf32, #tpu.memory_space<vmem>>, vector<16xf32>,
        %parallel_loop3A_109 = arith.index_cast %parallel_loop3A_96 : i32 to index
        %parallel_loop3A_110 = arith.constant 64 : index
        %parallel_loop3A_111 = tpu.vector_load %arg7[%parallel_loop3A_109, %parallel_loop3A_110] {strides = array<i32>} : memref<160x128xf32, #tpu.memory_space<vmem>>, vector<16xf32>,
        tpu.vector_store %arg7[%parallel_loop3A_109, %parallel_loop3A_110], %broadcast_in_dim3A_3 {strides = array<i32>} : memref<160x128xf32, #tpu.memory_space<vmem>>, vector<16xf32>,
        %parallel_loop3A_112 = arith.index_cast %parallel_loop3A_96 : i32 to index
        %parallel_loop3A_113 = arith.constant 80 : index
        %parallel_loop3A_114 = tpu.vector_load %arg7[%parallel_loop3A_112, %parallel_loop3A_113] {strides = array<i32>} : memref<160x128xf32, #tpu.memory_space<vmem>>, vector<16xf32>,
        tpu.vector_store %arg7[%parallel_loop3A_112, %parallel_loop3A_113], %broadcast_in_dim3A_3 {strides = array<i32>} : memref<160x128xf32, #tpu.memory_space<vmem>>, vector<16xf32>,
        %parallel_loop3A_115 = arith.index_cast %parallel_loop3A_96 : i32 to index
        %parallel_loop3A_116 = arith.constant 96 : index
        %parallel_loop3A_117 = tpu.vector_load %arg7[%parallel_loop3A_115, %parallel_loop3A_116] {strides = array<i32>} : memref<160x128xf32, #tpu.memory_space<vmem>>, vector<16xf32>,
        tpu.vector_store %arg7[%parallel_loop3A_115, %parallel_loop3A_116], %broadcast_in_dim3A_3 {strides = array<i32>} : memref<160x128xf32, #tpu.memory_space<vmem>>, vector<16xf32>,
        %parallel_loop3A_118 = arith.index_cast %parallel_loop3A_96 : i32 to index
        %parallel_loop3A_119 = arith.constant 112 : index
        %parallel_loop3A_120 = tpu.vector_load %arg7[%parallel_loop3A_118, %parallel_loop3A_119] {strides = array<i32>} : memref<160x128xf32, #tpu.memory_space<vmem>>, vector<16xf32>,
        tpu.vector_store %arg7[%parallel_loop3A_118, %parallel_loop3A_119], %broadcast_in_dim3A_3 {strides = array<i32>} : memref<160x128xf32, #tpu.memory_space<vmem>>, vector<16xf32>,
      } {sc.loop_unroll_factor = 4 : i64, sc.parallel_access}
    }
    %while3A_22 = arith.constant 1 : i32
    scf.for %while3A_28 = %while3A_20 to %while3A_16 step %while3A_22  : i32 {
      %parallel_loop3A_29 = arith.constant 0 : i32
      %parallel_loop3A_30 = arith.constant 625 : i32
      %parallel_loop3A_31 = arith.constant 1 : i32
      scf.for %parallel_loop3A_96 = %parallel_loop3A_29 to %parallel_loop3A_30 step %parallel_loop3A_31  : i32 {
        %parallel_loop3A_97 = arith.constant 16 : i32
        %parallel_loop3A_98 = arith.muli %parallel_loop3A_96, %parallel_loop3A_97 : i32
        %parallel_loop3A_99 = arith.index_cast %parallel_loop3A_98 : i32 to index
        %parallel_loop3A_100 = tpu.vector_load %arg5[%parallel_loop3A_99] {strides = array<i32>} : memref<10000xi32, #tpu.memory_space<vmem>>, vector<16xi32>,
        %parallel_loop3A_101 = arith.index_cast %parallel_loop3A_98 : i32 to index
        %parallel_loop3A_102 = tpu.vector_load %arg6[%parallel_loop3A_101] {strides = array<i32>} : memref<10000xi32, #tpu.memory_space<vmem>>, vector<16xi32>,
        %parallel_loop3A_103 = vector.broadcast %while3A_28 : i32 to vector<16xi32>
        %parallel_loop3A_104 = arith.cmpi eq, %parallel_loop3A_102, %parallel_loop3A_103 : vector<16xi32>
        %parallel_loop3A_105, %parallel_loop3A_106 = tpu.scan_count mask(%parallel_loop3A_104 : vector<16xi1>) value(%parallel_loop3A_100 : vector<16xi32>) : vector<16xi1>, vector<16xi32>
        %parallel_loop3A_107 = arith.constant 1 : i32
        %parallel_loop3A_108 = arith.andi %parallel_loop3A_96, %parallel_loop3A_107 : i32
        %parallel_loop3A_109 = arith.constant 80 : i32
        %parallel_loop3A_110 = arith.muli %parallel_loop3A_108, %parallel_loop3A_109 : i32
        %parallel_loop3A_111 = arith.constant 7 : i32
        %parallel_loop3A_112 = vector.broadcast %parallel_loop3A_111 : i32 to vector<16xi32>
        %parallel_loop3A_113 = arith.shrsi %parallel_loop3A_100, %parallel_loop3A_112 : vector<16xi32>
        %parallel_loop3A_114 = vector.broadcast %parallel_loop3A_110 : i32 to vector<16xi32>
        %parallel_loop3A_115 = arith.addi %parallel_loop3A_114, %parallel_loop3A_113 : vector<16xi32>
        %parallel_loop3A_116 = arith.constant 127 : i32
        %parallel_loop3A_117 = vector.broadcast %parallel_loop3A_116 : i32 to vector<16xi32>
        %parallel_loop3A_118 = arith.andi %parallel_loop3A_100, %parallel_loop3A_117 : vector<16xi32>
        %parallel_loop3A_119 = arith.sitofp %parallel_loop3A_106 : vector<16xi32> to vector<16xf32>
        tpu.vector_store_idx %arg7[%parallel_loop3A_115, %parallel_loop3A_118], %parallel_loop3A_119 masked %parallel_loop3A_105 {add = true} : memref<160x128xf32, #tpu.memory_space<vmem>>[vector<16xi32>, vector<16xi32>], vector<16xf32>, vector<16xi1>
      } {sc.loop_unroll_factor = 4 : i64, sc.parallel_access}
      %mul3A_32 = arith.constant 80 : i32
      %mul3A_33 = arith.muli %while3A_28, %mul3A_32 : i32
      %add3A_34 = arith.constant 0 : i32
      %add3A_35 = arith.addi %mul3A_33, %add3A_34 : i32
      %add3A_36 = vector.broadcast %add3A_35 : i32 to vector<16xi32>
      %add3A_37 = arith.addi %add3A_36, %iota3A : vector<16xi32>
      %swap3A = arith.constant 0 : index
      %swap3A_38 = tpu.vector_load %arg8[%swap3A] {strides = array<i32>} : memref<160xi32, #tpu.memory_space<vmem>>, vector<16xi32>,
      tpu.vector_store %arg8[%swap3A], %add3A_37 {strides = array<i32>} : memref<160xi32, #tpu.memory_space<vmem>>, vector<16xi32>,
      %add3A_39 = arith.constant 16 : i32
      %add3A_40 = arith.addi %mul3A_33, %add3A_39 : i32
      %add3A_41 = vector.broadcast %add3A_40 : i32 to vector<16xi32>
      %add3A_42 = arith.addi %add3A_41, %iota3A : vector<16xi32>
      %swap3A_43 = arith.constant 16 : index
      %swap3A_44 = tpu.vector_load %arg8[%swap3A_43] {strides = array<i32>} : memref<160xi32, #tpu.memory_space<vmem>>, vector<16xi32>,
      tpu.vector_store %arg8[%swap3A_43], %add3A_42 {strides = array<i32>} : memref<160xi32, #tpu.memory_space<vmem>>, vector<16xi32>,
      %add3A_45 = arith.constant 32 : i32
      %add3A_46 = arith.addi %mul3A_33, %add3A_45 : i32
      %add3A_47 = vector.broadcast %add3A_46 : i32 to vector<16xi32>
      %add3A_48 = arith.addi %add3A_47, %iota3A : vector<16xi32>
      %swap3A_49 = arith.constant 32 : index
      %swap3A_50 = tpu.vector_load %arg8[%swap3A_49] {strides = array<i32>} : memref<160xi32, #tpu.memory_space<vmem>>, vector<16xi32>,
      tpu.vector_store %arg8[%swap3A_49], %add3A_48 {strides = array<i32>} : memref<160xi32, #tpu.memory_space<vmem>>, vector<16xi32>,
      %add3A_51 = arith.constant 48 : i32
      %add3A_52 = arith.addi %mul3A_33, %add3A_51 : i32
      %add3A_53 = vector.broadcast %add3A_52 : i32 to vector<16xi32>
      %add3A_54 = arith.addi %add3A_53, %iota3A : vector<16xi32>
      %swap3A_55 = arith.constant 48 : index
      %swap3A_56 = tpu.vector_load %arg8[%swap3A_55] {strides = array<i32>} : memref<160xi32, #tpu.memory_space<vmem>>, vector<16xi32>,
      tpu.vector_store %arg8[%swap3A_55], %add3A_54 {strides = array<i32>} : memref<160xi32, #tpu.memory_space<vmem>>, vector<16xi32>,
      %add3A_57 = arith.constant 64 : i32
      %add3A_58 = arith.addi %mul3A_33, %add3A_57 : i32
      %add3A_59 = vector.broadcast %add3A_58 : i32 to vector<16xi32>
      %add3A_60 = arith.addi %add3A_59, %iota3A : vector<16xi32>
      %swap3A_61 = arith.constant 64 : index
      %swap3A_62 = tpu.vector_load %arg8[%swap3A_61] {strides = array<i32>} : memref<160xi32, #tpu.memory_space<vmem>>, vector<16xi32>,
      tpu.vector_store %arg8[%swap3A_61], %add3A_60 {strides = array<i32>} : memref<160xi32, #tpu.memory_space<vmem>>, vector<16xi32>,
      %add3A_63 = arith.constant 0 : i32
      %add3A_64 = arith.addi %mul3A_33, %add3A_63 : i32
      %add3A_65 = vector.broadcast %add3A_64 : i32 to vector<16xi32>
      %add3A_66 = arith.addi %add3A_65, %iota3A : vector<16xi32>
      %swap3A_67 = arith.constant 80 : index
      %swap3A_68 = tpu.vector_load %arg8[%swap3A_67] {strides = array<i32>} : memref<160xi32, #tpu.memory_space<vmem>>, vector<16xi32>,
      tpu.vector_store %arg8[%swap3A_67], %add3A_66 {strides = array<i32>} : memref<160xi32, #tpu.memory_space<vmem>>, vector<16xi32>,
      %add3A_69 = arith.constant 16 : i32
      %add3A_70 = arith.addi %mul3A_33, %add3A_69 : i32
      %add3A_71 = vector.broadcast %add3A_70 : i32 to vector<16xi32>
      %add3A_72 = arith.addi %add3A_71, %iota3A : vector<16xi32>
      %swap3A_73 = arith.constant 96 : index
      %swap3A_74 = tpu.vector_load %arg8[%swap3A_73] {strides = array<i32>} : memref<160xi32, #tpu.memory_space<vmem>>, vector<16xi32>,
      tpu.vector_store %arg8[%swap3A_73], %add3A_72 {strides = array<i32>} : memref<160xi32, #tpu.memory_space<vmem>>, vector<16xi32>,
      %add3A_75 = arith.constant 32 : i32
      %add3A_76 = arith.addi %mul3A_33, %add3A_75 : i32
      %add3A_77 = vector.broadcast %add3A_76 : i32 to vector<16xi32>
      %add3A_78 = arith.addi %add3A_77, %iota3A : vector<16xi32>
      %swap3A_79 = arith.constant 112 : index
      %swap3A_80 = tpu.vector_load %arg8[%swap3A_79] {strides = array<i32>} : memref<160xi32, #tpu.memory_space<vmem>>, vector<16xi32>,
      tpu.vector_store %arg8[%swap3A_79], %add3A_78 {strides = array<i32>} : memref<160xi32, #tpu.memory_space<vmem>>, vector<16xi32>,
      %add3A_81 = arith.constant 48 : i32
      %add3A_82 = arith.addi %mul3A_33, %add3A_81 : i32
      %add3A_83 = vector.broadcast %add3A_82 : i32 to vector<16xi32>
      %add3A_84 = arith.addi %add3A_83, %iota3A : vector<16xi32>
      %swap3A_85 = arith.constant 128 : index
      %swap3A_86 = tpu.vector_load %arg8[%swap3A_85] {strides = array<i32>} : memref<160xi32, #tpu.memory_space<vmem>>, vector<16xi32>,
      tpu.vector_store %arg8[%swap3A_85], %add3A_84 {strides = array<i32>} : memref<160xi32, #tpu.memory_space<vmem>>, vector<16xi32>,
      %add3A_87 = arith.constant 64 : i32
      %add3A_88 = arith.addi %mul3A_33, %add3A_87 : i32
      %add3A_89 = vector.broadcast %add3A_88 : i32 to vector<16xi32>
      %add3A_90 = arith.addi %add3A_89, %iota3A : vector<16xi32>
      %swap3A_91 = arith.constant 144 : index
      %swap3A_92 = tpu.vector_load %arg8[%swap3A_91] {strides = array<i32>} : memref<160xi32, #tpu.memory_space<vmem>>, vector<16xi32>,
      tpu.vector_store %arg8[%swap3A_91], %add3A_90 {strides = array<i32>} : memref<160xi32, #tpu.memory_space<vmem>>, vector<16xi32>,
      "tpu.region"() ({
        %run_scoped3A = tpu.sem_alloc : memref<!tpu.dma_semaphore, #tpu.memory_space<semaphore_mem>>
        %dma_start3A = arith.constant 0 : i32
        %dma_start3A_96 = arith.constant 0 : i32
        %dma_start3A_97 = tpu.memref_slice %arg9[%dma_start3A, %dma_start3A_96] : memref<1280x128xf32, #tpu.memory_space<vmem_shared>> -> memref<1280x128xf32, #tpu.memory_space<vmem_shared>>
        tpu.enqueue_indirect_dma source(%arg7 : memref<160x128xf32, #tpu.memory_space<vmem>>) target(%dma_start3A_97 : memref<1280x128xf32, #tpu.memory_space<vmem_shared>>) offsets(%arg8 : memref<160xi32, #tpu.memory_space<vmem>>) semaphore(%run_scoped3A : memref<!tpu.dma_semaphore, #tpu.memory_space<semaphore_mem>>) {add = true}
        %dma_wait3A = arith.constant 0 : i32
        %dma_wait3A_98 = arith.constant 0 : i32
        %dma_wait3A_99 = tpu.memref_slice %arg9[%dma_wait3A, %dma_wait3A_98] : memref<1280x128xf32, #tpu.memory_space<vmem_shared>> -> memref<1280x128xf32, #tpu.memory_space<vmem_shared>>
        tpu.wait_indirect_dma semaphore(%run_scoped3A : memref<!tpu.dma_semaphore, #tpu.memory_space<semaphore_mem>>) src(%arg7 : memref<160x128xf32, #tpu.memory_space<vmem>>) dst(%dma_wait3A_99 : memref<1280x128xf32, #tpu.memory_space<vmem_shared>>)
        tpu.yield
      }) : () -> ()
      %parallel_loop3A_93 = arith.constant 0 : i32
      %parallel_loop3A_94 = arith.constant 160 : i32
      %parallel_loop3A_95 = arith.constant 1 : i32
      scf.for %parallel_loop3A_96 = %parallel_loop3A_93 to %parallel_loop3A_94 step %parallel_loop3A_95  : i32 {
        %parallel_loop3A_97 = arith.index_cast %parallel_loop3A_96 : i32 to index
        %parallel_loop3A_98 = arith.constant 0 : index
        %parallel_loop3A_99 = tpu.vector_load %arg7[%parallel_loop3A_97, %parallel_loop3A_98] {strides = array<i32>} : memref<160x128xf32, #tpu.memory_space<vmem>>, vector<16xf32>,
        tpu.vector_store %arg7[%parallel_loop3A_97, %parallel_loop3A_98], %broadcast_in_dim3A_3 {strides = array<i32>} : memref<160x128xf32, #tpu.memory_space<vmem>>, vector<16xf32>,
        %parallel_loop3A_100 = arith.index_cast %parallel_loop3A_96 : i32 to index
        %parallel_loop3A_101 = arith.constant 16 : index
        %parallel_loop3A_102 = tpu.vector_load %arg7[%parallel_loop3A_100, %parallel_loop3A_101] {strides = array<i32>} : memref<160x128xf32, #tpu.memory_space<vmem>>, vector<16xf32>,
        tpu.vector_store %arg7[%parallel_loop3A_100, %parallel_loop3A_101], %broadcast_in_dim3A_3 {strides = array<i32>} : memref<160x128xf32, #tpu.memory_space<vmem>>, vector<16xf32>,
        %parallel_loop3A_103 = arith.index_cast %parallel_loop3A_96 : i32 to index
        %parallel_loop3A_104 = arith.constant 32 : index
        %parallel_loop3A_105 = tpu.vector_load %arg7[%parallel_loop3A_103, %parallel_loop3A_104] {strides = array<i32>} : memref<160x128xf32, #tpu.memory_space<vmem>>, vector<16xf32>,
        tpu.vector_store %arg7[%parallel_loop3A_103, %parallel_loop3A_104], %broadcast_in_dim3A_3 {strides = array<i32>} : memref<160x128xf32, #tpu.memory_space<vmem>>, vector<16xf32>,
        %parallel_loop3A_106 = arith.index_cast %parallel_loop3A_96 : i32 to index
        %parallel_loop3A_107 = arith.constant 48 : index
        %parallel_loop3A_108 = tpu.vector_load %arg7[%parallel_loop3A_106, %parallel_loop3A_107] {strides = array<i32>} : memref<160x128xf32, #tpu.memory_space<vmem>>, vector<16xf32>,
        tpu.vector_store %arg7[%parallel_loop3A_106, %parallel_loop3A_107], %broadcast_in_dim3A_3 {strides = array<i32>} : memref<160x128xf32, #tpu.memory_space<vmem>>, vector<16xf32>,
        %parallel_loop3A_109 = arith.index_cast %parallel_loop3A_96 : i32 to index
        %parallel_loop3A_110 = arith.constant 64 : index
        %parallel_loop3A_111 = tpu.vector_load %arg7[%parallel_loop3A_109, %parallel_loop3A_110] {strides = array<i32>} : memref<160x128xf32, #tpu.memory_space<vmem>>, vector<16xf32>,
        tpu.vector_store %arg7[%parallel_loop3A_109, %parallel_loop3A_110], %broadcast_in_dim3A_3 {strides = array<i32>} : memref<160x128xf32, #tpu.memory_space<vmem>>, vector<16xf32>,
        %parallel_loop3A_112 = arith.index_cast %parallel_loop3A_96 : i32 to index
        %parallel_loop3A_113 = arith.constant 80 : index
        %parallel_loop3A_114 = tpu.vector_load %arg7[%parallel_loop3A_112, %parallel_loop3A_113] {strides = array<i32>} : memref<160x128xf32, #tpu.memory_space<vmem>>, vector<16xf32>,
        tpu.vector_store %arg7[%parallel_loop3A_112, %parallel_loop3A_113], %broadcast_in_dim3A_3 {strides = array<i32>} : memref<160x128xf32, #tpu.memory_space<vmem>>, vector<16xf32>,
        %parallel_loop3A_115 = arith.index_cast %parallel_loop3A_96 : i32 to index
        %parallel_loop3A_116 = arith.constant 96 : index
        %parallel_loop3A_117 = tpu.vector_load %arg7[%parallel_loop3A_115, %parallel_loop3A_116] {strides = array<i32>} : memref<160x128xf32, #tpu.memory_space<vmem>>, vector<16xf32>,
        tpu.vector_store %arg7[%parallel_loop3A_115, %parallel_loop3A_116], %broadcast_in_dim3A_3 {strides = array<i32>} : memref<160x128xf32, #tpu.memory_space<vmem>>, vector<16xf32>,
        %parallel_loop3A_118 = arith.index_cast %parallel_loop3A_96 : i32 to index
        %parallel_loop3A_119 = arith.constant 112 : index
        %parallel_loop3A_120 = tpu.vector_load %arg7[%parallel_loop3A_118, %parallel_loop3A_119] {strides = array<i32>} : memref<160x128xf32, #tpu.memory_space<vmem>>, vector<16xf32>,
        tpu.vector_store %arg7[%parallel_loop3A_118, %parallel_loop3A_119], %broadcast_in_dim3A_3 {strides = array<i32>} : memref<160x128xf32, #tpu.memory_space<vmem>>, vector<16xf32>,
      } {sc.loop_unroll_factor = 4 : i64, sc.parallel_access}
    }
    %barrier3A_23 = arith.constant 0 : index
    tpu.barrier barrier_id(%barrier3A_23)
    %mul3A_24 = arith.constant 80 : i32
    %mul3A_25 = arith.muli %arg1, %mul3A_24 : i32
    %mul3A_26 = arith.constant 80 : i32
    %mul3A_27 = arith.muli %arg1, %mul3A_26 : i32
    "tpu.region"() ({
      %run_scoped3A = tpu.sem_alloc : memref<!tpu.dma_semaphore, #tpu.memory_space<semaphore_mem>>
      %dma_start3A = arith.constant 0 : i32
      %dma_start3A_28 = tpu.memref_slice %arg4[%arg0, %mul3A_27, %dma_start3A] : memref<2x1280x128xf32, #tpu.memory_space<hbm>> -> memref<1x80x128xf32, #tpu.memory_space<hbm>>
      %dma_start3A_29 = tpu.memref_squeeze %dma_start3A_28 : memref<1x80x128xf32, #tpu.memory_space<hbm>> -> memref<80x128xf32, #tpu.memory_space<hbm>>
      %dma_start3A_30 = arith.constant 0 : i32
      %dma_start3A_31 = tpu.memref_slice %arg9[%mul3A_25, %dma_start3A_30] : memref<1280x128xf32, #tpu.memory_space<vmem_shared>> -> memref<80x128xf32, #tpu.memory_space<vmem_shared>>
      tpu.enqueue_dma source(%dma_start3A_31 : memref<80x128xf32, #tpu.memory_space<vmem_shared>>) target(%dma_start3A_29 : memref<80x128xf32, #tpu.memory_space<hbm>>) target_semaphore(%run_scoped3A : memref<!tpu.dma_semaphore, #tpu.memory_space<semaphore_mem>>)
      %dma_wait3A = arith.constant 0 : i32
      %dma_wait3A_32 = tpu.memref_slice %arg4[%arg0, %mul3A_27, %dma_wait3A] : memref<2x1280x128xf32, #tpu.memory_space<hbm>> -> memref<1x80x128xf32, #tpu.memory_space<hbm>>
      %dma_wait3A_33 = tpu.memref_squeeze %dma_wait3A_32 : memref<1x80x128xf32, #tpu.memory_space<hbm>> -> memref<80x128xf32, #tpu.memory_space<hbm>>
      %dma_wait3A_34 = arith.constant 0 : i32
      %dma_wait3A_35 = tpu.memref_slice %arg9[%mul3A_25, %dma_wait3A_34] : memref<1280x128xf32, #tpu.memory_space<vmem_shared>> -> memref<80x128xf32, #tpu.memory_space<vmem_shared>>
      tpu.wait_dma2 semaphore(%run_scoped3A : memref<!tpu.dma_semaphore, #tpu.memory_space<semaphore_mem>>) src(%dma_wait3A_35 : memref<80x128xf32, #tpu.memory_space<vmem_shared>>) dst(%dma_wait3A_33 : memref<80x128xf32, #tpu.memory_space<hbm>>)
      tpu.yield
    }) : () -> ()
    return
  }
}

module attributes {stable_mosaic.version = 14 : i64} {
  func.func @_tc_finish_body(%arg0: memref<2x16x10240xf32, #tpu.memory_space<vmem>>, %arg1: memref<10000x128xf32, #tpu.memory_space<vmem>>, %arg2: memref<16x128xf32, #tpu.memory_space<vmem>>, %arg3: memref<16x16xf32, #tpu.memory_space<vmem>>, %arg4: memref<16xi32, #tpu.memory_space<vmem>>) attributes {dimension_semantics = [], scalar_prefetch = 0 : i64, scratch_operands = 0 : i64, tpu.core_type = #tpu.core_type<tc>} {
    %get3A = arith.constant 0 : index
    %get3A_0 = arith.constant 0 : index
    %get3A_1 = arith.constant 0 : index
    %get3A_2 = vector.load %arg0[%get3A, %get3A_0, %get3A_1] : memref<2x16x10240xf32, #tpu.memory_space<vmem>>, vector<1x16x10240xf32>
    %get3A_3 = vector.shape_cast %get3A_2 : vector<1x16x10240xf32> to vector<16x10240xf32>
    %get3A_4 = arith.constant 1 : index
    %get3A_5 = arith.constant 0 : index
    %get3A_6 = arith.constant 0 : index
    %get3A_7 = vector.load %arg0[%get3A_4, %get3A_5, %get3A_6] : memref<2x16x10240xf32, #tpu.memory_space<vmem>>, vector<1x16x10240xf32>
    %get3A_8 = vector.shape_cast %get3A_7 : vector<1x16x10240xf32> to vector<16x10240xf32>
    %add3A = arith.addf %get3A_3, %get3A_8 : vector<16x10240xf32>
    %slice3A = vector.extract_strided_slice %add3A {offsets = [0, 0], sizes = [16, 10000], strides = [1, 1]} : vector<16x10240xf32> to vector<16x10000xf32>
    %reduce_sum3A = arith.constant dense<0.000000e+00> : vector<16xf32>
    %reduce_sum3A_9 = vector.multi_reduction <add>, %slice3A, %reduce_sum3A [1] : vector<16x10000xf32> to vector<16xf32>
    %broadcast_in_dim3A = vector.shape_cast %reduce_sum3A_9 : vector<16xf32> to vector<16x1xf32>
    %get3A_10 = arith.constant 0 : index
    %get3A_11 = arith.constant 0 : index
    %get3A_12 = vector.load %arg1[%get3A_10, %get3A_11] : memref<10000x128xf32, #tpu.memory_space<vmem>>, vector<10000x128xf32>
    %dot_general3A = arith.constant dense<0.000000e+00> : vector<16x128xf32>
    %dot_general3A_13 = tpu.matmul %slice3A, %get3A_12, %dot_general3A {dimension_numbers = #tpu.dot_dimension_numbers<[1], [0], [0], [1], [0, 0, 1, 1], [], []>, transpose_lhs_hint = false} : vector<16x10000xf32>, vector<10000x128xf32>, vector<16x128xf32> -> vector<16x128xf32>
    %max3A = arith.constant 1.000000e+00 : f32
    %max3A_14 = vector.broadcast %max3A : f32 to vector<16x1xf32>
    %max3A_15 = arith.maximumf %broadcast_in_dim3A, %max3A_14 : vector<16x1xf32>
    %div3A = vector.broadcast %max3A_15 : vector<16x1xf32> to vector<16x128xf32>
    %div3A_16 = arith.divf %dot_general3A_13, %div3A : vector<16x128xf32>
    %mul3A = arith.mulf %div3A_16, %div3A_16 : vector<16x128xf32>
    %reduce_sum3A_17 = arith.constant dense<0.000000e+00> : vector<16xf32>
    %reduce_sum3A_18 = vector.multi_reduction <add>, %mul3A, %reduce_sum3A_17 [1] : vector<16x128xf32> to vector<16xf32>
    %broadcast_in_dim3A_19 = vector.shape_cast %reduce_sum3A_18 : vector<16xf32> to vector<16x1xf32>
    %sqrt3A = math.sqrt %broadcast_in_dim3A_19 : vector<16x1xf32>
    %max3A_20 = arith.constant 9.99999996E-13 : f32
    %max3A_21 = vector.broadcast %max3A_20 : f32 to vector<16x1xf32>
    %max3A_22 = arith.maximumf %sqrt3A, %max3A_21 : vector<16x1xf32>
    %div3A_23 = vector.broadcast %max3A_22 : vector<16x1xf32> to vector<16x128xf32>
    %div3A_24 = arith.divf %div3A_16, %div3A_23 : vector<16x128xf32>
    %get3A_25 = arith.constant 0 : index
    %get3A_26 = arith.constant 0 : index
    %get3A_27 = vector.load %arg2[%get3A_25, %get3A_26] : memref<16x128xf32, #tpu.memory_space<vmem>>, vector<16x128xf32>
    %transpose3A = tpu.transpose %get3A_27, [1, 0] : vector<16x128xf32> -> vector<128x16xf32>
    %dot_general3A_28 = arith.constant dense<0.000000e+00> : vector<16x16xf32>
    %dot_general3A_29 = tpu.matmul %div3A_24, %transpose3A, %dot_general3A_28 {dimension_numbers = #tpu.dot_dimension_numbers<[1], [0], [0], [1], [0, 0, 1, 1], [], []>, transpose_lhs_hint = false} : vector<16x128xf32>, vector<128x16xf32>, vector<16x16xf32> -> vector<16x16xf32>
    %mul3A_30 = arith.constant 14.2857141 : f32
    %mul3A_31 = vector.broadcast %mul3A_30 : f32 to vector<16x16xf32>
    %mul3A_32 = arith.mulf %dot_general3A_29, %mul3A_31 : vector<16x16xf32>
    %swap3A = arith.constant 0 : index
    %swap3A_33 = arith.constant 0 : index
    %swap3A_34 = vector.load %arg3[%swap3A, %swap3A_33] : memref<16x16xf32, #tpu.memory_space<vmem>>, vector<16x16xf32>
    tpu.vector_store %arg3[%swap3A, %swap3A_33], %mul3A_32 {strides = array<i32>} : memref<16x16xf32, #tpu.memory_space<vmem>>, vector<16x16xf32>,
    %iota3A = tpu.iota {dimensions = array<i32: 1>} : vector<1x16xi32>
    %iota3A_35 = vector.shape_cast %iota3A : vector<1x16xi32> to vector<16xi32>
    %swap3A_36 = arith.constant 0 : index
    %swap3A_37 = vector.load %arg4[%swap3A_36] : memref<16xi32, #tpu.memory_space<vmem>>, vector<16xi32>
    tpu.vector_store %arg4[%swap3A_36], %iota3A_35 {strides = array<i32>} : memref<16xi32, #tpu.memory_space<vmem>>, vector<16xi32>,
    return
  }
}

</mosaic_0001>

<sc_bundles>
// kernel: kernel.4.cloned.1.call-start
scs
__scs_entry_jumppad:
0x0: {  	(pc) =	sbr.rel $0x88, $3  }
0x1: {  	(tag) =	ssettag $0x0;
	lr =	simm.s32 $0x1  }
0x2: {  	[smem:$0x3F9D] =	sst lr;
	_ =	strace $0xD0000000  }
0x3: {  	_ = 	snop  }
0x4: {  	_ = 	snop  }
0x5: {  	_ = 	snop  }
0x6: {  	_ = 	snop  }
0x7: {  	_ = 	snop  }
__scs_overlays_trampoline_lowered:
0x8: {  	[smem:$0x3FAC] =	sst s0  }
0x9: {  	[smem:$0x3FAD] =	sst s1  }
0xa: {  	[smem:$0x3FAE] =	sst s2  }
0xb: {  	[smem:$0x3FAF] =	sst s3  }
0xc: {  	[smem:$0x3FB0] =	sst s4  }
0xd: {  	[smem:$0x3FB1] =	sst s5  }
0xe: {  	[smem:$0x3FB2] =	sst s6  }
0xf: {  	[smem:$0x3FB3] =	sst s7  }
0x10: {  	[smem:$0x3FB4] =	sst s8  }
0x11: {  	[smem:$0x3FB5] =	sst s9;
	s0 =	simm.s32 @!p0 $0x0  }
0x12: {  	s1 =	sld [smem:$0x3F9B];
	s0 =	simm.s32 @p0 $0x1  }
0x13: {  	[smem:$0x3FB6] =	sst s0;
	s0 =	simm.s32 @!p1 $0x0  }
0x14: {  	s2 =	sld [smem:$0x3F9A];
	s0 =	simm.s32 @p1 $0x1  }
0x15: {  	[smem:$0x3FB7] =	sst s0;
	s0 =	simm.s32 @!p2 $0x0  }
0x16: {  	s3 =	sld [smem:$0x3FDB];
	s0 =	simm.s32 @p2 $0x1  }
0x17: {  	s4 =	simm.s32 $0x1BF5;
	[smem:$0x3FB9] =	sst s0  }
0x18: {  	s0 =	sld [smem:$0x3F9C];
	_ =	swait.ge [sflag:s4], $0x0  }
0x19: {  	s7 =	sld [smem:$0x3F9D]  }
0x1a: {  	s8 =	sadd.s32 $0xFFFFE003, lr  }
0x1b: {  	s9 =	sadd.s32 $0xFFFFFEF7, lr;
	s5 =	simm.s32 $0xFFFFFFFF;
	p2 =	slt.u32 s8, $0xFFFFF086  }
0x1c: {  	p1 =	slt.u32 s9, $0xF7A;
	s5 =	simm.s32 @!p2 $0x0  }
0x1d: {  	s5 =	simm.s32 @p1 $0x1;
	p0 =	seq.s32 s7, s2  }
0x1e: {  	s7 =	smul.u32 @!p0 $0xF7A, s2;
	p2 =	seq.s32 @!p0 s5, $0x0  }
0x1f: {  	s9 =	smul.u32 $0xF7A, s1;
	s8 =	simm.s32 @!p0 $0x1BF5;
	p2 =	por !p2, p0  }
0x20: {  	[sflag:s8] =	ssyncset.s32 @!p0 $0xFFFFF086;
	s6 =	sadd.s32 @!p0 s3, s7;
	s7 =	simm.s32 @!p0 $0x108  }
0x21: {  	s3 =	sadd.s32 s3, s9;
	s6 =	sadd.s32 @!p0 $0x88, s6;
	s7 =	simm.s32 @p2 $0x1082  }
0x22: {  	[simem:s7], [sflag:s8] =	dma.local @!p0 [hbm:s6], $0xF7A  }
0x23: {  	s9 =	sor.u32 $0xD0000000, s2;
	s6 =	simm.s32 $0x108;
	_ =	swait.ge @!p0 [sflag:s8], $0x0  }
0x24: {  	s3 =	sadd.s32 $0x88, s3;
	s6 =	simm.s32 @!p1 $0x1082;
	[sflag:s4] =	ssyncset.s32 $0xFFFFF086  }
0x25: {  	[simem:s6], [sflag:s4] =	dma.local [hbm:s3], $0xF7A  }
0x26: {  	[smem:$0x3F9D] =	sst s1;
	(tag) =	ssettag s2;
	_ =	strace s9  }
0x27: {  	s1 =	sld [smem:$0x3FAD]  }
0x28: {  	s2 =	sld [smem:$0x3FAE]  }
0x29: {  	s4 =	sld [smem:$0x3FB0]  }
0x2a: {  	p0 =	seq.s32 s5, $0x0;
	s5 =	sld [smem:$0x3FB1]  }
0x2b: {  	s6 =	sld [smem:$0x3FB2]  }
0x2c: {  	s7 =	sld [smem:$0x3FB3]  }
0x2d: {  	s3 =	simm.s32 $0x108;
	s8 =	sld [smem:$0x3FB4]  }
0x2e: {  	s3 =	simm.s32 @!p0 $0x1082;
	s9 =	sld [smem:$0x3FB5]  }
0x2f: {  	lr =	sadd.s32 s0, s3;
	s0 =	sld [smem:$0x3FAC]  }
0x30: {  	s3 =	sld [smem:$0x3FAF]  }
0x31: {  	[smem:$0x3FB8] =	sst s10  }
0x32: {  	s10 =	sld [smem:$0x3FB6];
	_ =	sdelay $0x3  }
0x33: {  	p0 =	seq.s32 s10, $0x1;
	s10 =	sld [smem:$0x3FB8];
	_ =	sdelay $0x3  }
0x34: {  	[smem:$0x3FB8] =	sst s10  }
0x35: {  	s10 =	sld [smem:$0x3FB7];
	_ =	sdelay $0x3  }
0x36: {  	p1 =	seq.s32 s10, $0x1;
	s10 =	sld [smem:$0x3FB8];
	_ =	sdelay $0x3  }
0x37: {  	[smem:$0x3FB8] =	sst s10  }
0x38: {  	s10 =	sld [smem:$0x3FB9]  }
0x39: {  	_ = 	snop;
	(pc) =	sbr.ind lr, $3  }
0x3a: {  	_ = 	snop  }
0x3b: {  	_ = 	snop  }
0x3c: {  	p2 =	seq.s32 s10, $0x1;
	s10 =	sld [smem:$0x3FB8]  }
0x3d: {  	_ =	shalt  }
0x3e: {  	_ =	shalt  }
0x3f: {  	_ =	shalt  }
0x40: {  	_ =	shalt  }
0x41: {  	_ =	shalt  }
0x42: {  	_ =	shalt  }
0x43: {  	_ =	shalt  }
0x44: {  	_ =	shalt  }
0x45: {  	_ =	shalt  }
0x46: {  	_ =	shalt  }
0x47: {  	_ =	shalt  }
0x48: {  	_ =	shalt  }
0x49: {  	_ =	shalt  }
0x4a: {  	_ =	shalt  }
0x4b: {  	_ =	shalt  }
0x4c: {  	_ =	shalt  }
0x4d: {  	_ =	shalt  }
0x4e: {  	_ =	shalt  }
0x4f: {  	_ =	shalt  }
0x50: {  	_ =	shalt  }
0x51: {  	_ =	shalt  }
0x52: {  	_ =	shalt  }
0x53: {  	_ =	shalt  }
0x54: {  	_ =	shalt  }
0x55: {  	_ =	shalt  }
0x56: {  	_ =	shalt  }
0x57: {  	_ =	shalt  }
0x58: {  	_ =	shalt  }
0x59: {  	_ =	shalt  }
0x5a: {  	_ =	shalt  }
0x5b: {  	_ =	shalt  }
0x5c: {  	_ =	shalt  }
0x5d: {  	_ =	shalt  }
0x5e: {  	_ =	shalt  }
0x5f: {  	_ =	shalt  }
0x60: {  	_ =	shalt  }
0x61: {  	_ =	shalt  }
0x62: {  	_ =	shalt  }
0x63: {  	_ =	shalt  }
0x64: {  	_ =	shalt  }
0x65: {  	_ =	shalt  }
0x66: {  	_ =	shalt  }
0x67: {  	_ =	shalt  }
0x68: {  	_ =	shalt  }
0x69: {  	_ =	shalt  }
0x6a: {  	_ =	shalt  }
0x6b: {  	_ =	shalt  }
0x6c: {  	_ =	shalt  }
0x6d: {  	_ =	shalt  }
0x6e: {  	_ =	shalt  }
0x6f: {  	_ =	shalt  }
0x70: {  	_ =	shalt  }
0x71: {  	_ =	shalt  }
0x72: {  	_ =	shalt  }
0x73: {  	_ =	shalt  }
0x74: {  	_ =	shalt  }
0x75: {  	_ =	shalt  }
0x76: {  	_ =	shalt  }
0x77: {  	_ =	shalt  }
0x78: {  	_ =	shalt  }
0x79: {  	_ =	shalt  }
0x7a: {  	_ =	shalt  }
0x7b: {  	_ =	shalt  }
0x7c: {  	_ =	shalt  }
0x7d: {  	_ =	shalt  }
0x7e: {  	_ =	shalt  }
0x7f: {  	_ =	shalt  }
0x80: {  	_ =	shalt  }
0x81: {  	_ =	shalt  }
0x82: {  	_ =	shalt  }
0x83: {  	_ =	shalt  }
0x84: {  	_ =	shalt  }
0x85: {  	_ =	shalt  }
0x86: {  	_ =	shalt  }
0x87: {  	_ =	shalt  }
.Lfunc_end0:
.L_simem_size_0:
called_computation_lowered:
.L_overlay_start_0:
0x88: {  	s2 =	sld [smem:$0x3FD9]  }
0x89: {  	s3 =	sld [smem:$0x3FFE];
	_ =	sdelay $0x1  }
0x8a: {  	s1 =	srdreg.scid  }
0x8b: {  	s0 =	sand.u32 $0x1, s1  }
0x8c: {  	s17 =	sshll.u32 s0, $0xA;
	s2 =	sadd.s32 s3, s2  }
0x8d: {  	s2 =	sadd.s32 s2, s17  }
0x8e: {  	[smem:$0x3FC4] =	sst s2  }
0x8f: {  	_ = 	snop  }
0x90: {  	s2 =	sld [smem:$0x3FC7]  }
0x91: {  	s18 =	sld [smem:$0x3FC6];
	(tm) =	ssettm $0x1  }
0x92: {  	s4 =	sld [smem:$0x3FFB];
	_ =	sdelay $0x3  }
0x93: {  	_ =	strace s4  }
0x94: {  	s4 =	sld [smem:$0x3FFC];
	_ =	sdelay $0x3  }
0x95: {  	_ =	strace s4  }
0x96: {  	s4 =	sld [smem:$0x3FFD];
	_ =	sdelay $0x3  }
0x97: {  	_ =	strace s4  }
0x98: {  	_ =	strace $0x8FFFFFFF  }
0x99: {  	s19 =	sld [smem:$0x3FDB];
	_ =	sdelay $0x1  }
0x9a: {  	s5 =	simm.s32 $_scs_section_size  }
0x9b: {  	s6 =	simm.s32 $_size__tile_overlayer_lowered;
	s7 =	simm.s32 $_tile_overlayer_lowered  }
0x9c: {  	s22 =	simm.s32 $0x1BFF;
	s21 =	sshll.u32 s7, $0x1;
	s4 =	sadd.s32 s5, s19  }
0x9d: {  	s8 =	simm.s32 $0x0;
	s20 =	sshll.u32 s6, $0x1;
	s6 =	sadd.s32 s21, s4  }
0x9e: {  	[timem:s8], [sflag:s22] =	dma.local [hbm:s6], s20  }
0x9f: {  	_ =	swait.ge [sflag:s22], s20  }
0xa0: {  	s5 =	ssub.s32 $0x0, s20;
	[sflag:s22] =	ssyncset.done $0x0  }
0xa1: {  	[sflag:s22] =	ssyncadd.s32 s5;
	_ =	sdelay $0x1  }
0xa2: {  	s23 =	simm.s32 $0x1B8B  }
0xa3: {  	_ =	swait.ge [sflag:s23], $0x1  }
0xa4: {  	[sflag:s23] =	ssyncset.done $0x0  }
0xa5: {  	s25 =	simm.s32 $0x1B8E;
	s24 =	sld [smem:$0x3FFE];
	[sflag:s23] =	ssyncadd.s32 $0xFFFFFFFF  }
0xa6: {  	s26 =	simm.s32 $execute0_lowered;
	[smem:$0x3FD2] =	sst s25  }
0xa7: {  	s6 =	sshll.u32 s26, $0x1;
	_ =	strace $0x80000046;
	[dreg:$0x1] =	wrdreg $0xFFFFFFFF  }
0xa8: {  	s28 =	simm.s32 $_size_execute0_lowered;
	s4 =	sadd.s32 s4, s6;
	[dreg:$0x0] =	wrdreg $0x0  }
0xa9: {  	s6 =	sshll.u32 s28, $0x1;
	[dreg:$0x2] =	wrdreg s4  }
0xaa: {  	[dreg:$0x3] =	wrdreg s6  }
0xab: {  	[dreg:$0x4] =	wrdreg $0xC0  }
0xac: {  	_ =	task [dreg:s8], $0x5FFFF  }
0xad: {  	[dreg:$0x1] =	wrdreg $0xFFFFFFFF  }
0xae: {  	[dreg:$0x0] =	wrdreg $0x60  }
0xaf: {  	[dreg:$0x2] =	wrdreg s2  }
0xb0: {  	[dreg:$0x3] =	wrdreg s18  }
0xb1: {  	[dreg:$0x4] =	wrdreg s24  }
0xb2: {  	[dreg:$0x5] =	wrdreg $0xA0000  }
0xb3: {  	[dreg:$0x6] =	wrdreg $0x9  }
0xb4: {  	_ =	task.clear_ibuf [dreg:s8], $0x7FFFF;
	_ =	strace $0x90000046  }
0xb5: {  	s29 =	simm.s32 $0x9;
	_ =	strace $0x80000048  }
0xb6: {  	_ =	swait.ge [sflag:s29], $0x1  }
0xb7: {  	[sflag:s29] =	ssyncadd.s32 $0xFFFFFFFF  }
0xb8: {  	_ =	strace $0x90000048  }
0xb9: {  	_ =	sfence  }
0xba: {  	s30 =	sld [smem:$0x0];
	_ =	sdelay $0x2  }
0xbb: {  	s31 =	sshll.u32 s1, $0xD;
	s1 =	sshrl.u32 s1, $0x2  }
0xbc: {  	s3 =	sand.u32 $0x4000, s31;
	s1 =	sadd.s32 s1, s30  }
0xbd: {  	s0 =	sor.u32 s3, s0;
	s1 =	sshll.u32 s1, $0x11  }
0xbe: {  	s0 =	sor.u32 s1, s0  }
0xbf: {  	s0 =	sadd.s32 $0x8F2B, s0  }
0xc0: {  	[sflag:s0] =	ssyncadd.remote.s32 $0x1  }
0xc1: {  	_ =	sfence.sel $0xFFFF  }
0xc2: {  	[dreg:$0x0] =	wrdreg $0xFFFFFFFF;
	(pc) =	sbr.abs _section_cstart, $3  }
0xc3: {  	[dreg:$0x1] =	wrdreg $0xFFFFFFFF  }
0xc4: {  	_ =	task.clear_ibuf [dreg:s8], $0x2FFFF;
	_ =	strace $0x9FFFFFFF  }
0xc5: {  	(tm) =	ssettm $0x7FFFFFFF  }
tec
execute0_lowered:
.L_overlay_start_1:
0x0: {  	(tag) =	ssettag $0x1  }
0x1: {  	s4 =	rddreg [dreg:$0x0]  }
0x2: {  	s5 =	rddreg [dreg:$0x1]  }
0x3: {  	s6 =	rddreg [dreg:$0x2]  }
0x4: {  	s2 =	rddreg [dreg:$0x3]  }
0x5: {  	s1 =	srdreg.scid;
	s0 =	rddreg [dreg:$0x4]  }
0x6: {  	s3 =	simm.s32 $0x0;
	s12 =	simm.s32 $0xA0;
	s7 =	sand.u32 $0x1, s1  }
0x7: {  	s13 =	simm.s32 $0x9F00;
	s1 =	stileid.u32;
	s8 =	smul.u32 $0x28000, s7  }
0x8: {  	s14 =	simm.s32 $0x0;
	s9 =	smul.u32 $0x2800, s1;
	s10 =	sshll.u32 s1, $0x1  }
0x9: {  	[smem:$0x7FF] =	sst s3;
	s11 =	smul.u32 $0xA000, s1;
	s10 =	sor.u32 s7, s10  }
0xa: {  	_ =	strace $0x80000047;
	s7 =	ssub.s32 $0x2, s7;
	s29 =	smul.u32 $0x4E2, s10  }
.Ltmp0:
0xb: {  	s8 =	sadd.s32 s9, s8;
	s30 =	sshrl.u32 s7, $0x1;
	(pc) =	sbr.rel .LBB2_1-.Ltmp0, $4  }
0xc: {  	s31 =	sshrl.u32 s11, $0x2;
	s9 =	simm.s32 $0x1;
	s8 =	sshrl.u32 s8, $0x3  }
0xd: {  	s11 =	simm.s32 $0x4F00;
	s10 =	ssub.s32 s7, s30;
	s8 =	sadd.s32 s8, s6  }
0xe: {  	s4 =	sadd.s32 s4, s29;
	s5 =	sadd.s32 s5, s29;
	s6 =	sadd.s32 s31, s2  }
0xf: {  	v0 =	vimm.f32 $0.0e+00;
	v1 =	vlaneseq.u32;
	s7 =	sadd.s32 $0xE00, s8;
	s8 =	smax.u32 s10, $0x1;
	s10 =	simm.s32 $0x2780  }
.LBB2_9:
0x10: {  	s14 =	sadd.s32 $0x1, s14  }
0x11: {  	s15 =	sshll.u32 s1, $0x6;
	[bflag:$0x0] =	sbarrier.arrive $0xFFFF;
	p0 =	sne.s32 s14, s8  }
.Ltmp1:
0x12: {  	s16 =	sshrl.u32 s6, $0x3;
	s15 =	sor.u32 $0x1C01, s15;
	(pc) =	sbr.rel @!p0 .LBB2_10-.Ltmp1, $4  }
0x13: {  	[hbm:s7], [sflag:s15] =	dma.local [spmem:s16], $0x500  }
0x14: {  	_ =	swait.ge [sflag:s9], $0x500  }
0x15: {  	[sflag:s9] =	ssyncset.done $0x0  }
0x16: {  	[sflag:s9] =	ssyncadd.s32 $0xFFFFFB00  }
.LBB2_1:
0x17: {  	[tilespmem:s3], [sflag:$0x1] =	stream.linear.gather [hbm4b:s4+s3], $0x2710, $0x38;
	[tilespmem:$0xC800] =	vst v63  }
0x18: {  	_ =	swait.ge [sflag:s9], $0x2710  }
0x19: {  	[sflag:s9] =	ssyncset.done $0x0  }
0x1a: {  	[sflag:s9] =	ssyncadd.s32 $0xFFFFD8F0  }
0x1b: {  	[tilespmem:s10], [sflag:$0x1] =	stream.linear.gather [hbm4b:s5+s3], $0x2710, $0x38;
	[tilespmem:$0xC800] =	vst v63  }
0x1c: {  	_ =	swait.ge [sflag:s9], $0x2710  }
0x1d: {  	[sflag:s9] =	ssyncset.done $0x0  }
0x1e: {  	s15 =	simm.s32 $0x5000;
	[sflag:s9] =	ssyncadd.s32 $0xFFFFD8F0  }
0x1f: {  	[tilespmem:s15+$0xFFFFFF00] =	vst v0  }
0x20: {  	[tilespmem:s15+$0xF0] =	vst v0  }
0x21: {  	[tilespmem:s15+$0xE0] =	vst v0  }
0x22: {  	[tilespmem:s15+$0xD0] =	vst v0  }
0x23: {  	[tilespmem:s15+$0xC0] =	vst v0  }
0x24: {  	[tilespmem:s15+$0xB0] =	vst v0  }
0x25: {  	[tilespmem:s15+$0xA0] =	vst v0  }
0x26: {  	[tilespmem:s15+$0x90] =	vst v0  }
0x27: {  	[tilespmem:s15+$0x80] =	vst v0  }
0x28: {  	[tilespmem:s15+$0x70] =	vst v0  }
0x29: {  	[tilespmem:s15+$0x60] =	vst v0  }
0x2a: {  	[tilespmem:s15+$0x50] =	vst v0  }
0x2b: {  	[tilespmem:s15+$0x40] =	vst v0  }
0x2c: {  	[tilespmem:s15+$0x30] =	vst v0  }
0x2d: {  	[tilespmem:s15+$0x20] =	vst v0  }
0x2e: {  	[tilespmem:s15+$0x10] =	vst v0  }
0x2f: {  	[tilespmem:s15+$0x0] =	vst v0  }
0x30: {  	[tilespmem:s15+$0xFFFFFFF0] =	vst v0  }
0x31: {  	[tilespmem:s15+$0xFFFFFFE0] =	vst v0  }
0x32: {  	[tilespmem:s15+$0xFFFFFFD0] =	vst v0  }
0x33: {  	[tilespmem:s15+$0xFFFFFFC0] =	vst v0  }
0x34: {  	[tilespmem:s15+$0xFFFFFFB0] =	vst v0  }
0x35: {  	[tilespmem:s15+$0xFFFFFFA0] =	vst v0  }
0x36: {  	[tilespmem:s15+$0xFFFFFF90] =	vst v0  }
0x37: {  	[tilespmem:s15+$0xFFFFFF80] =	vst v0  }
0x38: {  	[tilespmem:s15+$0xFFFFFF70] =	vst v0  }
0x39: {  	[tilespmem:s15+$0xFFFFFF60] =	vst v0  }
0x3a: {  	[tilespmem:s15+$0xFFFFFF50] =	vst v0  }
0x3b: {  	[tilespmem:s15+$0xFFFFFF40] =	vst v0  }
0x3c: {  	[tilespmem:s15+$0xFFFFFF30] =	vst v0  }
0x3d: {  	s16 =	simm.s32 $0x0;
	[tilespmem:s15+$0xFFFFFF20] =	vst v0  }
.LBB2_2:
0x3e: {  	s16 =	sadd.s32 $0x4, s16;
	[tilespmem:s15+$0xFFFFFF10] =	vst v0;
	s15 =	sadd.s32 $0x200, s15  }
0x3f: {  	[tilespmem:s15+$0xFFFFFF00] =	vst v0;
	p0 =	slt.u32 s16, $0x9C  }
0x40: {  	[tilespmem:s15+$0xF0] =	vst v0  }
0x41: {  	[tilespmem:s15+$0xE0] =	vst v0  }
0x42: {  	[tilespmem:s15+$0xD0] =	vst v0  }
0x43: {  	[tilespmem:s15+$0xC0] =	vst v0  }
0x44: {  	[tilespmem:s15+$0xB0] =	vst v0  }
0x45: {  	[tilespmem:s15+$0xA0] =	vst v0  }
0x46: {  	[tilespmem:s15+$0x90] =	vst v0  }
0x47: {  	[tilespmem:s15+$0x80] =	vst v0  }
0x48: {  	[tilespmem:s15+$0x70] =	vst v0  }
0x49: {  	[tilespmem:s15+$0x60] =	vst v0  }
0x4a: {  	[tilespmem:s15+$0x50] =	vst v0  }
0x4b: {  	[tilespmem:s15+$0x40] =	vst v0  }
0x4c: {  	[tilespmem:s15+$0x30] =	vst v0  }
0x4d: {  	[tilespmem:s15+$0x20] =	vst v0  }
0x4e: {  	[tilespmem:s15+$0x10] =	vst v0  }
0x4f: {  	[tilespmem:s15+$0x0] =	vst v0  }
0x50: {  	[tilespmem:s15+$0xFFFFFFF0] =	vst v0  }
0x51: {  	[tilespmem:s15+$0xFFFFFFE0] =	vst v0  }
0x52: {  	[tilespmem:s15+$0xFFFFFFD0] =	vst v0  }
0x53: {  	[tilespmem:s15+$0xFFFFFFC0] =	vst v0  }
0x54: {  	[tilespmem:s15+$0xFFFFFFB0] =	vst v0  }
0x55: {  	[tilespmem:s15+$0xFFFFFFA0] =	vst v0  }
0x56: {  	[tilespmem:s15+$0xFFFFFF90] =	vst v0  }
0x57: {  	[tilespmem:s15+$0xFFFFFF80] =	vst v0  }
0x58: {  	[tilespmem:s15+$0xFFFFFF70] =	vst v0  }
.Ltmp2:
0x59: {  	[tilespmem:s15+$0xFFFFFF60] =	vst v0;
	(pc) =	sbr.rel @p0 .LBB2_2-.Ltmp2, $4  }
0x5a: {  	[tilespmem:s15+$0xFFFFFF50] =	vst v0  }
0x5b: {  	[tilespmem:s15+$0xFFFFFF40] =	vst v0  }
0x5c: {  	[tilespmem:s15+$0xFFFFFF30] =	vst v0  }
0x5d: {  	[tilespmem:s15+$0xFFFFFF20] =	vst v0  }
0x5e: {  	[tilespmem:s15+$0xFFFFFF10] =	vst v0  }
0x5f: {  	[spmem:s6] =	stream.linear.scatter [tilespmem:s11], [sflag:$0x1], $0x2800, $0x38;
	[tilespmem:$0xC800] =	vst v63  }
0x60: {  	_ =	swait.ge [sflag:s9], $0x2800  }
0x61: {  	[sflag:s9] =	ssyncset.done $0x0  }
0x62: {  	[sflag:s9] =	ssyncadd.s32 $0xFFFFD800  }
0x63: {  	[bflag:$0x0] =	sbarrier.arrive $0xFFFF  }
0x64: {  	v2 =	vld [tilespmem:$0x2780]  }
0x65: {  	v3 =	vld [tilespmem:$0x4E80];
	_ =	sdelay $0x3  }
0x66: {  	(v2sf) =	vpush v2, $0x0  }
0x67: {  	(v2sf) =	vpush v3, $0xF;
	_ =	sdelay $0xd  }
0x68: {  	s16 =	spop (v2sf)  }
0x69: {  	s15 =	spop (v2sf)  }
0x6a: {  	s17 =	sadd.s32 $0x1, s15  }
0x6b: {  	p0 =	sge.s32 s16, s17  }
.Ltmp3:
0x6c: {  	_ = 	snop;
	(pc) =	sbr.rel @p0 .LBB2_9-.Ltmp3, $1  }
0x6d: {  	_ =	sdelay $0x3  }
.LBB2_4:
0x6e: {  	s17 =	simm.s32 $0x27A0  }
0x6f: {  	s18 =	simm.s32 $0x20;
	v3 =	vld [tilespmem:s17+$0x10]  }
0x70: {  	v7 =	vld [tilespmem:s18+$0x10];
	_ =	sdelay $0x1  }
0x71: {  	v6 =	vld [tilespmem:s17+$0xFFFFFFE0]  }
0x72: {  	v2 =	vmov s16;
	v8 =	vld [tilespmem:s17+$0xFFFFFFF0]  }
0x73: {  	v9 =	vld [tilespmem:s17+$0x0];
	vm0 =	veq.s32 v3, v2  }
0x74: {  	v10 =	vld [tilespmem:s18+$0xFFFFFFF0];
	(xrf1) =	vunique.msk.u32 vm0, v7  }
0x75: {  	v3 =	vld [tilespmem:s18+$0x0]  }
0x76: {  	v4 =	vld [tilespmem:s18+$0xFFFFFFE0];
	_ =	sdelay $0x1  }
0x77: {  	vm0 =	veq.s32 v8, v2  }
0x78: {  	s31 =	simm.s32 $0x27E0;
	vm1 =	veq.s32 v9, v2;
	(xrf1) =	vunique.msk.u32 vm0, v10  }
0x79: {  	v11 =	vld [tilespmem:s31+$0x10];
	s17 =	simm.s32 $0x60;
	vm0 =	veq.s32 v6, v2;
	(xrf1) =	vunique.msk.u32 vm1, v3  }
0x7a: {  	v5 =	vld [tilespmem:s17+$0x10];
	(xrf1) =	vunique.msk.u32 vm0, v4;
	_ =	sdelay $0x1  }
0x7b: {  	v13 =	vld [tilespmem:s31+$0xFFFFFFF0]  }
0x7c: {  	v15 =	vld [tilespmem:s17+$0xFFFFFFF0]  }
0x7d: {  	v12 =	vld [tilespmem:s31+$0xFFFFFFE0];
	vm0 =	veq.s32 v11, v2  }
0x7e: {  	v14 =	vld [tilespmem:s31+$0x0];
	(xrf1) =	vunique.msk.u32 vm0, v5  }
0x7f: {  	v8 =	vld [tilespmem:s17+$0x0]  }
0x80: {  	vm2 =	veq.s32 v13, v2;
	v9 =	vld [tilespmem:s17+$0xFFFFFFE0];
	_, v11, vm0 =	vpop (xrf1)  }
0x81: {  	v6 =	vadd.s32 $0x2800, v10;
	v10 =	vadd.s32 $0x2800, v7;
	(xrf1) =	vunique.msk.u32 vm2, v15;
	_ =	sdelay $0x1  }
0x82: {  	s19 =	simm.s32 $0x2820;
	s18 =	simm.s32 $0x4;
	vm4 =	veq.s32 v14, v2;
	v7 =	vadd.s32 $0x2800, v15;
	vm1 =	veq.s32 v12, v2  }
.LBB2_5:
0x83: {  	v12 =	vld [tilespmem:s19+$0x10];
	s18 =	sadd.s32 $0x4, s18;
	s17 =	sadd.s32 $0x40, s17;
	(xrf1) =	vunique.msk.u32 vm4, v8;
	v11 =	vcvt.s32.f32 v11;
	v13 =	vmov v8  }
0x84: {  	v14 =	vld [tilespmem:s17+$0x10];
	p0 =	slt.u32 s18, $0x26C;
	(xrf1) =	vunique.msk.u32 vm1, v9;
	_, v8, vm3 =	vpop (xrf1);
	v15 =	vmov v9  }
0x85: {  	v16 =	vcvt.s32.f32 v8;
	[tilespmem:v10+s11+$0x0] =	vst.idx.add.f32.msk vm0, v11;
	_, v8, vm2 =	vpop (xrf1)  }
0x86: {  	v10 =	vld [tilespmem:s19+$0xFFFFFFE0];
	v17 =	vcvt.s32.f32 v8;
	_, v8, vm4 =	vpop (xrf1)  }
0x87: {  	v18 =	vld [tilespmem:s19+$0xFFFFFFF0];
	v19 =	vcvt.s32.f32 v8  }
0x88: {  	v20 =	vld [tilespmem:s19+$0x0];
	vm0 =	veq.s32 v12, v2  }
0x89: {  	v12 =	vld [tilespmem:s17+$0xFFFFFFF0];
	(xrf1) =	vunique.msk.u32 vm0, v14  }
.Ltmp4:
0x8a: {  	v8 =	vld [tilespmem:s17+$0x0];
	(pc) =	sbr.rel @p0 .LBB2_5-.Ltmp4, $4  }
0x8b: {  	v9 =	vld [tilespmem:s17+$0xFFFFFFE0];
	vm1 =	veq.s32 v10, v2;
	_, v11, vm0 =	vpop (xrf1)  }
0x8c: {  	v10 =	vadd.s32 $0x2800, v5;
	v5 =	vmovc v14;
	vm5 =	veq.s32 v18, v2;
	[tilespmem:v4+s11+$0x0] =	vst.idx.add.f32.msk vm4, v19;
	v4 =	vmov v15  }
0x8d: {  	vm4 =	veq.s32 v20, v2;
	[tilespmem:v6+s11+$0x0] =	vst.idx.add.f32.msk vm3, v16;
	v6 =	vmov v7  }
0x8e: {  	s19 =	sadd.s32 $0x40, s19;
	v7 =	vadd.s32 $0x2800, v12;
	(xrf1) =	vunique.msk.u32 vm5, v12;
	[tilespmem:v3+s11+$0x0] =	vst.idx.add.f32.msk vm2, v17;
	v3 =	vmov v13  }
0x8f: {  	(xrf1) =	vunique.msk.u32 vm4, v8  }
0x90: {  	(xrf1) =	vunique.msk.u32 vm1, v9;
	_ =	sdelay $0x7  }
0x91: {  	_, v12, vm13 =	vpop (xrf1)  }
0x92: {  	_, v13, vm2 =	vpop (xrf1)  }
0x93: {  	_, v14, vm3 =	vpop (xrf1)  }
0x94: {  	v11 =	vcvt.s32.f32 v11;
	_, v15, vm14 =	vpop (xrf1)  }
0x95: {  	v5 =	vadd.s32 $0x2800, v5;
	v56 =	vcvt.s32.f32 v12;
	_, v16, vm5 =	vpop (xrf1)  }
0x96: {  	[tilespmem:v10+s11+$0x0] =	vst.idx.add.f32.msk vm0, v11;
	v57 =	vcvt.s32.f32 v13;
	_, v17, vm6 =	vpop (xrf1)  }
0x97: {  	v14 =	vcvt.s32.f32 v14;
	[tilespmem:v6+s11+$0x0] =	vst.idx.add.f32.msk vm13, v56;
	_, v18, vm7 =	vpop (xrf1)  }
0x98: {  	[tilespmem:v3+s11+$0x0] =	vst.idx.add.f32.msk vm2, v57;
	v58 =	vcvt.s32.f32 v15  }
0x99: {  	[tilespmem:v4+s11+$0x0] =	vst.idx.add.f32.msk vm3, v14;
	v59 =	vcvt.s32.f32 v16  }
0x9a: {  	[tilespmem:v5+s11+$0x0] =	vst.idx.add.f32.msk vm14, v58;
	v60 =	vcvt.s32.f32 v17  }
0x9b: {  	v3 =	vcvt.s32.f32 v18;
	[tilespmem:v7+s11+$0x0] =	vst.idx.add.f32.msk vm5, v59  }
0x9c: {  	[tilespmem:v8+s11+$0x0] =	vst.idx.add.f32.msk vm6, v60  }
0x9d: {  	[tilespmem:v9+s11+$0x0] =	vst.idx.add.f32.msk vm7, v3  }
0x9e: {  	v3 =	vld [tilespmem:$0x4E80]  }
0x9f: {  	v4 =	vld [tilespmem:$0x2700];
	_ =	sdelay $0x3  }
0xa0: {  	vm15 =	veq.s32 v3, v2  }
0xa1: {  	(xrf1) =	vunique.msk.u32 vm15, v4;
	_ =	sdelay $0xd  }
0xa2: {  	_, v2, vm0 =	vpop (xrf1);
	_ =	sdelay $0x3  }
0xa3: {  	s17 =	smul.u32 $0x50, s16;
	v2 =	vcvt.s32.f32 v2;
	_ =	sdelay $0x1  }
0xa4: {  	s18 =	sadd.s32 $0x10, s17;
	[tilespmem:v4+s11+$0x0] =	vst.idx.add.f32.msk vm0, v2;
	v2 =	vor.u32 s17, v1  }
0xa5: {  	s30 =	sadd.s32 $0x20, s17;
	v3 =	vor.u32 s18, v1;
	[tilespmem:$0x9F00] =	vst v2  }
0xa6: {  	s31 =	sadd.s32 $0x30, s17;
	v61 =	vor.u32 s30, v1;
	[tilespmem:$0x9F10] =	vst v3  }
0xa7: {  	v62 =	vor.u32 s31, v1;
	[tilespmem:$0x9F20] =	vst v61  }
0xa8: {  	[tilespmem:$0x9F30] =	vst v62  }
0xa9: {  	[tilespmem:$0x9F50] =	vst v2  }
0xaa: {  	[tilespmem:$0x9F60] =	vst v3  }
0xab: {  	s17 =	sadd.s32 $0x40, s17;
	[tilespmem:$0x9F70] =	vst v61  }
0xac: {  	v63 =	vor.u32 s17, v1;
	[tilespmem:$0x9F80] =	vst v62  }
0xad: {  	[tilespmem:$0x9F40] =	vst v63  }
0xae: {  	[tilespmem:$0x9F90] =	vst v63  }
0xaf: {  	[spmem:s2] =	stream.indirect.scatter.add.f32 [tilespmem:s11], [sflag:$0x1], $0x80, s13, s12, $0xb8;
	[tilespmem:$0xC800] =	vst v63  }
0xb0: {  	_ =	swait.ge [sflag:s9], $0x5000  }
0xb1: {  	[sflag:s9] =	ssyncset.done $0x0  }
0xb2: {  	s17 =	simm.s32 $0x5000;
	[sflag:s9] =	ssyncadd.s32 $0xFFFFB000  }
0xb3: {  	[tilespmem:s17+$0xFFFFFF00] =	vst v0  }
0xb4: {  	[tilespmem:s17+$0xF0] =	vst v0  }
0xb5: {  	[tilespmem:s17+$0xE0] =	vst v0  }
0xb6: {  	[tilespmem:s17+$0xD0] =	vst v0  }
0xb7: {  	[tilespmem:s17+$0xC0] =	vst v0  }
0xb8: {  	[tilespmem:s17+$0xB0] =	vst v0  }
0xb9: {  	[tilespmem:s17+$0xA0] =	vst v0  }
0xba: {  	[tilespmem:s17+$0x90] =	vst v0  }
0xbb: {  	[tilespmem:s17+$0x80] =	vst v0  }
0xbc: {  	[tilespmem:s17+$0x70] =	vst v0  }
0xbd: {  	[tilespmem:s17+$0x60] =	vst v0  }
0xbe: {  	[tilespmem:s17+$0x50] =	vst v0  }
0xbf: {  	[tilespmem:s17+$0x40] =	vst v0  }
0xc0: {  	[tilespmem:s17+$0x30] =	vst v0  }
0xc1: {  	[tilespmem:s17+$0x20] =	vst v0  }
0xc2: {  	[tilespmem:s17+$0x10] =	vst v0  }
0xc3: {  	[tilespmem:s17+$0x0] =	vst v0  }
0xc4: {  	[tilespmem:s17+$0xFFFFFFF0] =	vst v0  }
0xc5: {  	[tilespmem:s17+$0xFFFFFFE0] =	vst v0  }
0xc6: {  	[tilespmem:s17+$0xFFFFFFD0] =	vst v0  }
0xc7: {  	[tilespmem:s17+$0xFFFFFFC0] =	vst v0  }
0xc8: {  	[tilespmem:s17+$0xFFFFFFB0] =	vst v0  }
0xc9: {  	[tilespmem:s17+$0xFFFFFFA0] =	vst v0  }
0xca: {  	[tilespmem:s17+$0xFFFFFF90] =	vst v0  }
0xcb: {  	[tilespmem:s17+$0xFFFFFF80] =	vst v0  }
0xcc: {  	[tilespmem:s17+$0xFFFFFF70] =	vst v0  }
0xcd: {  	[tilespmem:s17+$0xFFFFFF60] =	vst v0  }
0xce: {  	[tilespmem:s17+$0xFFFFFF50] =	vst v0  }
0xcf: {  	[tilespmem:s17+$0xFFFFFF40] =	vst v0  }
0xd0: {  	[tilespmem:s17+$0xFFFFFF30] =	vst v0  }
0xd1: {  	s18 =	simm.s32 $0x0;
	[tilespmem:s17+$0xFFFFFF20] =	vst v0  }
.LBB2_7:
0xd2: {  	s18 =	sadd.s32 $0x4, s18;
	[tilespmem:s17+$0xFFFFFF10] =	vst v0;
	s17 =	sadd.s32 $0x200, s17  }
0xd3: {  	[tilespmem:s17+$0xFFFFFF00] =	vst v0;
	p0 =	slt.u32 s18, $0x9C  }
0xd4: {  	[tilespmem:s17+$0xF0] =	vst v0  }
0xd5: {  	[tilespmem:s17+$0xE0] =	vst v0  }
0xd6: {  	[tilespmem:s17+$0xD0] =	vst v0  }
0xd7: {  	[tilespmem:s17+$0xC0] =	vst v0  }
0xd8: {  	[tilespmem:s17+$0xB0] =	vst v0  }
0xd9: {  	[tilespmem:s17+$0xA0] =	vst v0  }
0xda: {  	[tilespmem:s17+$0x90] =	vst v0  }
0xdb: {  	[tilespmem:s17+$0x80] =	vst v0  }
0xdc: {  	[tilespmem:s17+$0x70] =	vst v0  }
0xdd: {  	[tilespmem:s17+$0x60] =	vst v0  }
0xde: {  	[tilespmem:s17+$0x50] =	vst v0  }
0xdf: {  	[tilespmem:s17+$0x40] =	vst v0  }
0xe0: {  	[tilespmem:s17+$0x30] =	vst v0  }
0xe1: {  	[tilespmem:s17+$0x20] =	vst v0  }
0xe2: {  	[tilespmem:s17+$0x10] =	vst v0  }
0xe3: {  	[tilespmem:s17+$0x0] =	vst v0  }
0xe4: {  	[tilespmem:s17+$0xFFFFFFF0] =	vst v0  }
0xe5: {  	[tilespmem:s17+$0xFFFFFFE0] =	vst v0  }
0xe6: {  	[tilespmem:s17+$0xFFFFFFD0] =	vst v0  }
0xe7: {  	[tilespmem:s17+$0xFFFFFFC0] =	vst v0  }
0xe8: {  	[tilespmem:s17+$0xFFFFFFB0] =	vst v0  }
0xe9: {  	[tilespmem:s17+$0xFFFFFFA0] =	vst v0  }
0xea: {  	[tilespmem:s17+$0xFFFFFF90] =	vst v0  }
0xeb: {  	[tilespmem:s17+$0xFFFFFF80] =	vst v0  }
0xec: {  	[tilespmem:s17+$0xFFFFFF70] =	vst v0  }
.Ltmp5:
0xed: {  	[tilespmem:s17+$0xFFFFFF60] =	vst v0;
	(pc) =	sbr.rel @p0 .LBB2_7-.Ltmp5, $4  }
0xee: {  	[tilespmem:s17+$0xFFFFFF50] =	vst v0  }
0xef: {  	[tilespmem:s17+$0xFFFFFF40] =	vst v0  }
0xf0: {  	[tilespmem:s17+$0xFFFFFF30] =	vst v0  }
0xf1: {  	[tilespmem:s17+$0xFFFFFF20] =	vst v0  }
0xf2: {  	p0 =	sne.s32 s16, s15  }
.Ltmp6:
0xf3: {  	_ = 	snop;
	(pc) =	sbr.rel @p0 .LBB2_4-.Ltmp6, $4  }
.Ltmp7:
0xf4: {  	_ = 	snop;
	(pc) =	sbr.rel @!p0 .LBB2_9-.Ltmp7, $4  }
0xf5: {  	_ = 	snop  }
0xf6: {  	s18 =	sadd.s32 $0x1, s16  }
0xf7: {  	[tilespmem:s17+$0xFFFFFF10] =	vst v0;
	s16 =	smov.u32 s18  }
0xf8: {  	_ = 	snop  }
.LBB2_10:
0xf9: {  	_ =	sfence.sel $0x180000  }
0xfa: {  	[bflag:$0x0] =	sbarrier.arrive $0xFFFF  }
0xfb: {  	p0 =	sne.s32 s1, $0x0;
	_ =	strace $0x90000047  }
0xfc: {  	s0 =	sadd.s32 @!p0 $0x100000, s0;
	[bflag:$0x2] =	sbarrier.arrive $0xFFFF  }
0xfd: {  	[sflag:s0] =	ssyncadd.tile.s32 @!p0 $0x1;
	_ =	shalt  }
.Lfunc_end2:
_tile_overlayer_lowered:
.L_overlay_start_2:
0xfe: {  	(tag) =	ssettag $0x2  }
0xff: {  	s0 =	rddreg [dreg:$0x0];
	s2 =	stileid.u32  }
0x100: {  	s1 =	rddreg [dreg:$0x1];
	p0 =	sne.s32 s2, $0x0  }
0x101: {  	s3 =	rddreg [dreg:$0x2];
	[bflag:$0x3] =	sbarrier.arrive $0xFFFF;
	s2 =	simm.s32 @!p0 $0x1C01  }
0x102: {  	[timem:s3], [sflag:s2] =	dma.local @!p0 [hbm:s0], s1  }
0x103: {  	s0 =	simm.s32 @!p0 $0x1  }
0x104: {  	_ =	swait.ge @!p0 [sflag:s0], s1  }
0x105: {  	s1 =	ssub.s32 @!p0 $0x0, s1;
	[sflag:s0] =	ssyncset.done @!p0 $0x0  }
0x106: {  	[sflag:s0] =	ssyncadd.s32 @!p0 s1  }
0x107: {  	[bflag:$0x3] =	sbarrier.arrive $0xFFFF  }
0x108: {  	_ =	shalt  }

</sc_bundles>
